<compile_context>
chip_gen: v7x
topology: tpu7x:2x2x1
jax: 0.10.2.dev20260603
libtpu: 0.0.44.dev20260713+nightly
codegen_flags: <defaults>
</compile_context>

<pallas_src>
import functools

import jax
import jax.numpy as jnp
from jax import lax
from jax.experimental import pallas as pl
from jax.experimental.pallas import tpu as pltpu
from jax.experimental.pallas import tpu_sc as plsc

N = 19
E = 342
EP = 384
D_IN = 1025
HID = 256
OUT = 512
ROW = 128
AP = 2560
DUMP = N * ROW



def _build_a_body(ei_h, pc_h, out_h, ds_v, idx_v, pc_v, zbuf_v, acc_sh,
                  sem_ei, sem_pc, sem_z, sem_sc):
    cid = lax.axis_index("c")
    sid = lax.axis_index("s")

    @pl.when((cid == 0) & (sid == 0))
    def _():
        cp_ei = pltpu.async_copy(ei_h, ds_v, sem_ei)
        cp_pc = pltpu.async_copy(pc_h, pc_v.at[pl.ds(0, E)], sem_pc)
        zero = jnp.zeros((16,), jnp.float32)
        for i in range(AP // 16):
            zbuf_v[pl.ds(i * 16, 16)] = zero
        cp_z = pltpu.async_copy(zbuf_v, acc_sh, sem_z)
        dump = jnp.full((16,), DUMP, jnp.int32)
        idx_v[2, pl.ds(86, 16)] = dump
        idx_v[2, pl.ds(102, 16)] = dump
        idx_v[2, pl.ds(112, 16)] = dump
        cp_ei.wait()
        for c in range(22):
            off = c * 16 if c < 21 else E - 16
            d = ds_v[1, pl.ds(off, 16)]
            s = ds_v[0, pl.ds(off, 16)]
            idx_v[off // 128, pl.ds(off % 128, 16)] = d * ROW + s
        cp_pc.wait()
        cp_z.wait()
        sc = [pltpu.async_copy(pc_v.at[pl.ds(j * 128, 128)],
                               acc_sh.at[idx_v.at[j]], sem_sc, add=True)
              for j in range(EP // 128)]
        for c in sc:
            c.wait()
        pltpu.sync_copy(acc_sh, out_h)


_build_a = functools.partial(
    pl.kernel,
    out_type=jax.ShapeDtypeStruct((AP,), jnp.float32),
    mesh=plsc.VectorSubcoreMesh(core_axis_name="c", subcore_axis_name="s",
                                num_cores=1, num_subcores=1),
    scratch_types=[
        pltpu.VMEM((2, E), jnp.int32),
        pltpu.VMEM((EP // 128, 128), jnp.int32),
        pltpu.VMEM((EP,), jnp.float32),
        pltpu.VMEM((AP,), jnp.float32),
        pltpu.VMEM_SHARED((AP,), jnp.float32),
        pltpu.SemaphoreType.DMA,
        pltpu.SemaphoreType.DMA,
        pltpu.SemaphoreType.DMA,
        pltpu.SemaphoreType.DMA,
    ],
)(_build_a_body)



def _proj_kernel(x_ref, w1a_ref, out_ref):
    out_ref[...] = jnp.dot(x_ref[...], w1a_ref[...],
                           preferred_element_type=jnp.float32)


def _dense_kernel(a_ref, p_ref,
                  b1a_ref, w1b_ref, b1b_ref,
                  w2a_ref, b2a_ref, w2b_ref, b2b_ref,
                  wp_ref, bp_ref, out_ref):
    f32 = jnp.float32
    a = a_ref[...].reshape(AP // ROW, ROW)[:N, :N]
    eye = (jax.lax.broadcasted_iota(jnp.int32, (N, N), 0)
           == jax.lax.broadcasted_iota(jnp.int32, (N, N), 1)).astype(f32)
    apl = a + eye

    t1 = jax.nn.relu(jnp.dot(apl, p_ref[...], preferred_element_type=f32)
                     + b1a_ref[...])
    h1 = jax.nn.relu(jnp.dot(t1, w1b_ref[...], preferred_element_type=f32)
                     + b1b_ref[...])

    z2 = jnp.dot(apl, h1, preferred_element_type=f32)
    t2 = jax.nn.relu(jnp.dot(z2, w2a_ref[...], preferred_element_type=f32)
                     + b2a_ref[...])
    h2 = jnp.dot(t2, w2b_ref[...], preferred_element_type=f32) + b2b_ref[...]

    s = jnp.sum(h2 * wp_ref[...], axis=1, keepdims=True)
    total = jnp.sum(s, axis=0, keepdims=True) + bp_ref[...]
    out_ref[...] = jax.nn.sigmoid(total)


@jax.jit
def _run(x, edge_index, pred_connectivity, W1a, b1a, W1b, b1b,
         W2a, b2a, W2b, b2b, Wp, bp):
    a_flat = _build_a(edge_index, pred_connectivity)
    p = pl.pallas_call(
        _proj_kernel,
        out_shape=jax.ShapeDtypeStruct((N, HID), jnp.float32),
    )(x, W1a)

    out = pl.pallas_call(
        _dense_kernel,
        out_shape=jax.ShapeDtypeStruct((1, 1), jnp.float32),
    )(a_flat, p, b1a, W1b, b1b, W2a, b2a, W2b, b2b, Wp.reshape(N, OUT), bp)
    return out.reshape(1)


def kernel(x, edge_index, pred_connectivity, W1a, b1a, W1b, b1b,
           W2a, b2a, W2b, b2b, Wp, bp):
    return _run(x, edge_index, pred_connectivity, W1a, b1a, W1b, b1b,
                W2a, b2a, W2b, b2b, Wp, bp)

# --- scband reference (transcript-rebuilt; emitter-appended) ---
"""Pipeline reference for scband-connectivity-classifier-13211319402651 (READ-ONLY COPY).

The authoritative reference and input builder live on the scoring server;
editing this copy changes nothing except your own understanding.
"""

import jax, jax.numpy as jnp
import numpy as np

N = 19
E = 342
D_IN = 1025
HID = 256
OUT = 512


def setup_inputs(seed: int = 0) -> dict:
    key = jax.random.key(seed)
    ks = jax.random.split(key, 14)
    x = jax.random.normal(ks[0], (N, D_IN), dtype=jnp.float32)
    edge_index = jax.random.randint(ks[1], (2, E), 0, N, dtype=jnp.int32)
    pred_connectivity = jax.random.uniform(ks[2], (E,), dtype=jnp.float32)
    s = 0.02
    W1a = jax.random.normal(ks[3], (D_IN, HID), dtype=jnp.float32) * s
    b1a = jnp.zeros((HID,), dtype=jnp.float32)
    W1b = jax.random.normal(ks[4], (HID, HID), dtype=jnp.float32) * s
    b1b = jnp.zeros((HID,), dtype=jnp.float32)
    W2a = jax.random.normal(ks[5], (HID, OUT), dtype=jnp.float32) * s
    b2a = jnp.zeros((OUT,), dtype=jnp.float32)
    W2b = jax.random.normal(ks[6], (OUT, OUT), dtype=jnp.float32) * s
    b2b = jnp.zeros((OUT,), dtype=jnp.float32)
    Wp = jax.random.normal(ks[7], (N * OUT, 1), dtype=jnp.float32) * s
    bp = jnp.zeros((1,), dtype=jnp.float32)
    return {
        "x": x,
        "edge_index": edge_index,
        "pred_connectivity": pred_connectivity,
        "W1a": W1a, "b1a": b1a, "W1b": W1b, "b1b": b1b,
        "W2a": W2a, "b2a": b2a, "W2b": W2b, "b2b": b2b,
        "Wp": Wp, "bp": bp,
    }


def reference(x, edge_index, pred_connectivity, W1a, b1a, W1b, b1b, W2a, b2a, W2b, b2b, Wp, bp):
    src = edge_index[0]
    dst = edge_index[1]

    def gin_conv(h, Wa, ba, Wb, bb):
        # GINConv: mlp((1+eps)*x + sum_{j in N(i)} w_ij * x_j), eps=0
        msg = h[src] * pred_connectivity[:, None]
        agg = jnp.zeros_like(h).at[dst].add(msg)
        z = h + agg
        return jax.nn.relu(z @ Wa + ba) @ Wb + bb

    # BasicGNN: act between conv layers, none after last
    h1 = jax.nn.relu(gin_conv(x, W1a, b1a, W1b, b1b))
    h2 = gin_conv(h1, W2a, b2a, W2b, b2b)
    flat = h2.reshape(N * OUT)
    pred_dem = jax.nn.sigmoid(flat @ Wp + bp)
    return pred_dem

if __name__ == "__main__":
    import jax
    _d = setup_inputs()
    print(jax.jit(kernel)(*tuple(_d.values())))

</pallas_src>

<mosaic_0001>
#map = affine_map<(d0, d1) -> (0, 0)>
#map1 = affine_map<(d0, d1) -> (0)>
module attributes {stable_mosaic.version = 14 : i64} {
  func.func @_build_a_body(%arg0: i32, %arg1: i32, %arg2: memref<2x342xi32, #tpu.memory_space<hbm>>, %arg3: memref<342xf32, #tpu.memory_space<hbm>>, %arg4: memref<2560xf32, #tpu.memory_space<hbm>>, %arg5: memref<2x342xi32, #tpu.memory_space<vmem>>, %arg6: memref<3x128xi32, #tpu.memory_space<vmem>>, %arg7: memref<384xf32, #tpu.memory_space<vmem>>, %arg8: memref<2560xf32, #tpu.memory_space<vmem>>, %arg9: memref<2560xf32, #tpu.memory_space<vmem_shared>>, %arg10: memref<!tpu.dma_semaphore, #tpu.memory_space<semaphore_mem>>, %arg11: memref<!tpu.dma_semaphore, #tpu.memory_space<semaphore_mem>>, %arg12: memref<!tpu.dma_semaphore, #tpu.memory_space<semaphore_mem>>, %arg13: memref<!tpu.dma_semaphore, #tpu.memory_space<semaphore_mem>>) attributes {dimension_semantics = [#tpu.dimension_semantics<core_parallel>, #tpu.dimension_semantics<subcore_parallel>], iteration_bounds = array<i64: 1, 1>, scalar_prefetch = 0 : i64, scratch_operands = 9 : i64, tpu.core_type = #tpu.core_type<sc_vector_subcore>, window_params = [{transform_indices = #map}, {transform_indices = #map1}, {transform_indices = #map1}]} {
    %eq3A = arith.constant 0 : i32
    %eq3A_0 = arith.cmpi eq, %arg0, %eq3A : i32
    %eq3A_1 = arith.constant 0 : i32
    %eq3A_2 = arith.cmpi eq, %arg1, %eq3A_1 : i32
    %and3A = arith.andi %eq3A_0, %eq3A_2 : i1
    %convert_element_type3A = arith.extui %and3A : i1 to i32
    %cond3A = arith.constant 0 : i32
    %cond3A_3 = arith.cmpi ne, %convert_element_type3A, %cond3A : i32
    scf.if %cond3A_3 {
      tpu.enqueue_dma source(%arg2 : memref<2x342xi32, #tpu.memory_space<hbm>>) target(%arg5 : memref<2x342xi32, #tpu.memory_space<vmem>>) target_semaphore(%arg10 : memref<!tpu.dma_semaphore, #tpu.memory_space<semaphore_mem>>)
      %dma_start3A = arith.constant 0 : i32
      %dma_start3A_4 = tpu.memref_slice %arg7[%dma_start3A] : memref<384xf32, #tpu.memory_space<vmem>> -> memref<342xf32, #tpu.memory_space<vmem>>
      %dma_start3A_5 = arith.constant 0 : i32
      %dma_start3A_6 = tpu.memref_slice %arg7[%dma_start3A_5] : memref<384xf32, #tpu.memory_space<vmem>> -> memref<342xf32, #tpu.memory_space<vmem>>
      tpu.enqueue_dma source(%arg3 : memref<342xf32, #tpu.memory_space<hbm>>) target(%dma_start3A_6 : memref<342xf32, #tpu.memory_space<vmem>>) target_semaphore(%arg11 : memref<!tpu.dma_semaphore, #tpu.memory_space<semaphore_mem>>)
      %broadcast_in_dim3A = arith.constant 0.000000e+00 : f32
      %broadcast_in_dim3A_7 = vector.broadcast %broadcast_in_dim3A : f32 to vector<16xf32>
      %swap3A = arith.constant 0 : index
      %swap3A_8 = tpu.vector_load %arg8[%swap3A] {strides = array<i32>} : memref<2560xf32, #tpu.memory_space<vmem>>, vector<16xf32>,
      %swap3A_9 = vector.shape_cast %swap3A_8 : vector<16xf32> to vector<16xf32>
      %swap3A_10 = vector.shape_cast %broadcast_in_dim3A_7 : vector<16xf32> to vector<16xf32>
      tpu.vector_store %arg8[%swap3A], %swap3A_10 {strides = array<i32>} : memref<2560xf32, #tpu.memory_space<vmem>>, vector<16xf32>,
      %swap3A_11 = arith.constant 16 : index
      %swap3A_12 = tpu.vector_load %arg8[%swap3A_11] {strides = array<i32>} : memref<2560xf32, #tpu.memory_space<vmem>>, vector<16xf32>,
      %swap3A_13 = vector.shape_cast %swap3A_12 : vector<16xf32> to vector<16xf32>
      %swap3A_14 = vector.shape_cast %broadcast_in_dim3A_7 : vector<16xf32> to vector<16xf32>
      tpu.vector_store %arg8[%swap3A_11], %swap3A_14 {strides = array<i32>} : memref<2560xf32, #tpu.memory_space<vmem>>, vector<16xf32>,
      %swap3A_15 = arith.constant 32 : index
      %swap3A_16 = tpu.vector_load %arg8[%swap3A_15] {strides = array<i32>} : memref<2560xf32, #tpu.memory_space<vmem>>, vector<16xf32>,
      %swap3A_17 = vector.shape_cast %swap3A_16 : vector<16xf32> to vector<16xf32>
      %swap3A_18 = vector.shape_cast %broadcast_in_dim3A_7 : vector<16xf32> to vector<16xf32>
      tpu.vector_store %arg8[%swap3A_15], %swap3A_18 {strides = array<i32>} : memref<2560xf32, #tpu.memory_space<vmem>>, vector<16xf32>,
      %swap3A_19 = arith.constant 48 : index
      %swap3A_20 = tpu.vector_load %arg8[%swap3A_19] {strides = array<i32>} : memref<2560xf32, #tpu.memory_space<vmem>>, vector<16xf32>,
      %swap3A_21 = vector.shape_cast %swap3A_20 : vector<16xf32> to vector<16xf32>
      %swap3A_22 = vector.shape_cast %broadcast_in_dim3A_7 : vector<16xf32> to vector<16xf32>
      tpu.vector_store %arg8[%swap3A_19], %swap3A_22 {strides = array<i32>} : memref<2560xf32, #tpu.memory_space<vmem>>, vector<16xf32>,
      %swap3A_23 = arith.constant 64 : index
      %swap3A_24 = tpu.vector_load %arg8[%swap3A_23] {strides = array<i32>} : memref<2560xf32, #tpu.memory_space<vmem>>, vector<16xf32>,
      %swap3A_25 = vector.shape_cast %swap3A_24 : vector<16xf32> to vector<16xf32>
      %swap3A_26 = vector.shape_cast %broadcast_in_dim3A_7 : vector<16xf32> to vector<16xf32>
      tpu.vector_store %arg8[%swap3A_23], %swap3A_26 {strides = array<i32>} : memref<2560xf32, #tpu.memory_space<vmem>>, vector<16xf32>,
      %swap3A_27 = arith.constant 80 : index
      %swap3A_28 = tpu.vector_load %arg8[%swap3A_27] {strides = array<i32>} : memref<2560xf32, #tpu.memory_space<vmem>>, vector<16xf32>,
      %swap3A_29 = vector.shape_cast %swap3A_28 : vector<16xf32> to vector<16xf32>
      %swap3A_30 = vector.shape_cast %broadcast_in_dim3A_7 : vector<16xf32> to vector<16xf32>
      tpu.vector_store %arg8[%swap3A_27], %swap3A_30 {strides = array<i32>} : memref<2560xf32, #tpu.memory_space<vmem>>, vector<16xf32>,
      %swap3A_31 = arith.constant 96 : index
      %swap3A_32 = tpu.vector_load %arg8[%swap3A_31] {strides = array<i32>} : memref<2560xf32, #tpu.memory_space<vmem>>, vector<16xf32>,
      %swap3A_33 = vector.shape_cast %swap3A_32 : vector<16xf32> to vector<16xf32>
      %swap3A_34 = vector.shape_cast %broadcast_in_dim3A_7 : vector<16xf32> to vector<16xf32>
      tpu.vector_store %arg8[%swap3A_31], %swap3A_34 {strides = array<i32>} : memref<2560xf32, #tpu.memory_space<vmem>>, vector<16xf32>,
      %swap3A_35 = arith.constant 112 : index
      %swap3A_36 = tpu.vector_load %arg8[%swap3A_35] {strides = array<i32>} : memref<2560xf32, #tpu.memory_space<vmem>>, vector<16xf32>,
      %swap3A_37 = vector.shape_cast %swap3A_36 : vector<16xf32> to vector<16xf32>
      %swap3A_38 = vector.shape_cast %broadcast_in_dim3A_7 : vector<16xf32> to vector<16xf32>
      tpu.vector_store %arg8[%swap3A_35], %swap3A_38 {strides = array<i32>} : memref<2560xf32, #tpu.memory_space<vmem>>, vector<16xf32>,
      %swap3A_39 = arith.constant 128 : index
      %swap3A_40 = tpu.vector_load %arg8[%swap3A_39] {strides = array<i32>} : memref<2560xf32, #tpu.memory_space<vmem>>, vector<16xf32>,
      %swap3A_41 = vector.shape_cast %swap3A_40 : vector<16xf32> to vector<16xf32>
      %swap3A_42 = vector.shape_cast %broadcast_in_dim3A_7 : vector<16xf32> to vector<16xf32>
      tpu.vector_store %arg8[%swap3A_39], %swap3A_42 {strides = array<i32>} : memref<2560xf32, #tpu.memory_space<vmem>>, vector<16xf32>,
      %swap3A_43 = arith.constant 144 : index
      %swap3A_44 = tpu.vector_load %arg8[%swap3A_43] {strides = array<i32>} : memref<2560xf32, #tpu.memory_space<vmem>>, vector<16xf32>,
      %swap3A_45 = vector.shape_cast %swap3A_44 : vector<16xf32> to vector<16xf32>
      %swap3A_46 = vector.shape_cast %broadcast_in_dim3A_7 : vector<16xf32> to vector<16xf32>
      tpu.vector_store %arg8[%swap3A_43], %swap3A_46 {strides = array<i32>} : memref<2560xf32, #tpu.memory_space<vmem>>, vector<16xf32>,
      %swap3A_47 = arith.constant 160 : index
      %swap3A_48 = tpu.vector_load %arg8[%swap3A_47] {strides = array<i32>} : memref<2560xf32, #tpu.memory_space<vmem>>, vector<16xf32>,
      %swap3A_49 = vector.shape_cast %swap3A_48 : vector<16xf32> to vector<16xf32>
      %swap3A_50 = vector.shape_cast %broadcast_in_dim3A_7 : vector<16xf32> to vector<16xf32>
      tpu.vector_store %arg8[%swap3A_47], %swap3A_50 {strides = array<i32>} : memref<2560xf32, #tpu.memory_space<vmem>>, vector<16xf32>,
      %swap3A_51 = arith.constant 176 : index
      %swap3A_52 = tpu.vector_load %arg8[%swap3A_51] {strides = array<i32>} : memref<2560xf32, #tpu.memory_space<vmem>>, vector<16xf32>,
      %swap3A_53 = vector.shape_cast %swap3A_52 : vector<16xf32> to vector<16xf32>
      %swap3A_54 = vector.shape_cast %broadcast_in_dim3A_7 : vector<16xf32> to vector<16xf32>
      tpu.vector_store %arg8[%swap3A_51], %swap3A_54 {strides = array<i32>} : memref<2560xf32, #tpu.memory_space<vmem>>, vector<16xf32>,
      %swap3A_55 = arith.constant 192 : index
      %swap3A_56 = tpu.vector_load %arg8[%swap3A_55] {strides = array<i32>} : memref<2560xf32, #tpu.memory_space<vmem>>, vector<16xf32>,
      %swap3A_57 = vector.shape_cast %swap3A_56 : vector<16xf32> to vector<16xf32>
      %swap3A_58 = vector.shape_cast %broadcast_in_dim3A_7 : vector<16xf32> to vector<16xf32>
      tpu.vector_store %arg8[%swap3A_55], %swap3A_58 {strides = array<i32>} : memref<2560xf32, #tpu.memory_space<vmem>>, vector<16xf32>,
      %swap3A_59 = arith.constant 208 : index
      %swap3A_60 = tpu.vector_load %arg8[%swap3A_59] {strides = array<i32>} : memref<2560xf32, #tpu.memory_space<vmem>>, vector<16xf32>,
      %swap3A_61 = vector.shape_cast %swap3A_60 : vector<16xf32> to vector<16xf32>
      %swap3A_62 = vector.shape_cast %broadcast_in_dim3A_7 : vector<16xf32> to vector<16xf32>
      tpu.vector_store %arg8[%swap3A_59], %swap3A_62 {strides = array<i32>} : memref<2560xf32, #tpu.memory_space<vmem>>, vector<16xf32>,
      %swap3A_63 = arith.constant 224 : index
      %swap3A_64 = tpu.vector_load %arg8[%swap3A_63] {strides = array<i32>} : memref<2560xf32, #tpu.memory_space<vmem>>, vector<16xf32>,
      %swap3A_65 = vector.shape_cast %swap3A_64 : vector<16xf32> to vector<16xf32>
      %swap3A_66 = vector.shape_cast %broadcast_in_dim3A_7 : vector<16xf32> to vector<16xf32>
      tpu.vector_store %arg8[%swap3A_63], %swap3A_66 {strides = array<i32>} : memref<2560xf32, #tpu.memory_space<vmem>>, vector<16xf32>,
      %swap3A_67 = arith.constant 240 : index
      %swap3A_68 = tpu.vector_load %arg8[%swap3A_67] {strides = array<i32>} : memref<2560xf32, #tpu.memory_space<vmem>>, vector<16xf32>,
      %swap3A_69 = vector.shape_cast %swap3A_68 : vector<16xf32> to vector<16xf32>
      %swap3A_70 = vector.shape_cast %broadcast_in_dim3A_7 : vector<16xf32> to vector<16xf32>
      tpu.vector_store %arg8[%swap3A_67], %swap3A_70 {strides = array<i32>} : memref<2560xf32, #tpu.memory_space<vmem>>, vector<16xf32>,
      %swap3A_71 = arith.constant 256 : index
      %swap3A_72 = tpu.vector_load %arg8[%swap3A_71] {strides = array<i32>} : memref<2560xf32, #tpu.memory_space<vmem>>, vector<16xf32>,
      %swap3A_73 = vector.shape_cast %swap3A_72 : vector<16xf32> to vector<16xf32>
      %swap3A_74 = vector.shape_cast %broadcast_in_dim3A_7 : vector<16xf32> to vector<16xf32>
      tpu.vector_store %arg8[%swap3A_71], %swap3A_74 {strides = array<i32>} : memref<2560xf32, #tpu.memory_space<vmem>>, vector<16xf32>,
      %swap3A_75 = arith.constant 272 : index
      %swap3A_76 = tpu.vector_load %arg8[%swap3A_75] {strides = array<i32>} : memref<2560xf32, #tpu.memory_space<vmem>>, vector<16xf32>,
      %swap3A_77 = vector.shape_cast %swap3A_76 : vector<16xf32> to vector<16xf32>
      %swap3A_78 = vector.shape_cast %broadcast_in_dim3A_7 : vector<16xf32> to vector<16xf32>
      tpu.vector_store %arg8[%swap3A_75], %swap3A_78 {strides = array<i32>} : memref<2560xf32, #tpu.memory_space<vmem>>, vector<16xf32>,
      %swap3A_79 = arith.constant 288 : index
      %swap3A_80 = tpu.vector_load %arg8[%swap3A_79] {strides = array<i32>} : memref<2560xf32, #tpu.memory_space<vmem>>, vector<16xf32>,
      %swap3A_81 = vector.shape_cast %swap3A_80 : vector<16xf32> to vector<16xf32>
      %swap3A_82 = vector.shape_cast %broadcast_in_dim3A_7 : vector<16xf32> to vector<16xf32>
      tpu.vector_store %arg8[%swap3A_79], %swap3A_82 {strides = array<i32>} : memref<2560xf32, #tpu.memory_space<vmem>>, vector<16xf32>,
      %swap3A_83 = arith.constant 304 : index
      %swap3A_84 = tpu.vector_load %arg8[%swap3A_83] {strides = array<i32>} : memref<2560xf32, #tpu.memory_space<vmem>>, vector<16xf32>,
      %swap3A_85 = vector.shape_cast %swap3A_84 : vector<16xf32> to vector<16xf32>
      %swap3A_86 = vector.shape_cast %broadcast_in_dim3A_7 : vector<16xf32> to vector<16xf32>
      tpu.vector_store %arg8[%swap3A_83], %swap3A_86 {strides = array<i32>} : memref<2560xf32, #tpu.memory_space<vmem>>, vector<16xf32>,
      %swap3A_87 = arith.constant 320 : index
      %swap3A_88 = tpu.vector_load %arg8[%swap3A_87] {strides = array<i32>} : memref<2560xf32, #tpu.memory_space<vmem>>, vector<16xf32>,
      %swap3A_89 = vector.shape_cast %swap3A_88 : vector<16xf32> to vector<16xf32>
      %swap3A_90 = vector.shape_cast %broadcast_in_dim3A_7 : vector<16xf32> to vector<16xf32>
      tpu.vector_store %arg8[%swap3A_87], %swap3A_90 {strides = array<i32>} : memref<2560xf32, #tpu.memory_space<vmem>>, vector<16xf32>,
      %swap3A_91 = arith.constant 336 : index
      %swap3A_92 = tpu.vector_load %arg8[%swap3A_91] {strides = array<i32>} : memref<2560xf32, #tpu.memory_space<vmem>>, vector<16xf32>,
      %swap3A_93 = vector.shape_cast %swap3A_92 : vector<16xf32> to vector<16xf32>
      %swap3A_94 = vector.shape_cast %broadcast_in_dim3A_7 : vector<16xf32> to vector<16xf32>
      tpu.vector_store %arg8[%swap3A_91], %swap3A_94 {strides = array<i32>} : memref<2560xf32, #tpu.memory_space<vmem>>, vector<16xf32>,
      %swap3A_95 = arith.constant 352 : index
      %swap3A_96 = tpu.vector_load %arg8[%swap3A_95] {strides = array<i32>} : memref<2560xf32, #tpu.memory_space<vmem>>, vector<16xf32>,
      %swap3A_97 = vector.shape_cast %swap3A_96 : vector<16xf32> to vector<16xf32>
      %swap3A_98 = vector.shape_cast %broadcast_in_dim3A_7 : vector<16xf32> to vector<16xf32>
      tpu.vector_store %arg8[%swap3A_95], %swap3A_98 {strides = array<i32>} : memref<2560xf32, #tpu.memory_space<vmem>>, vector<16xf32>,
      %swap3A_99 = arith.constant 368 : index
      %swap3A_100 = tpu.vector_load %arg8[%swap3A_99] {strides = array<i32>} : memref<2560xf32, #tpu.memory_space<vmem>>, vector<16xf32>,
      %swap3A_101 = vector.shape_cast %swap3A_100 : vector<16xf32> to vector<16xf32>
      %swap3A_102 = vector.shape_cast %broadcast_in_dim3A_7 : vector<16xf32> to vector<16xf32>
      tpu.vector_store %arg8[%swap3A_99], %swap3A_102 {strides = array<i32>} : memref<2560xf32, #tpu.memory_space<vmem>>, vector<16xf32>,
      %swap3A_103 = arith.constant 384 : index
      %swap3A_104 = tpu.vector_load %arg8[%swap3A_103] {strides = array<i32>} : memref<2560xf32, #tpu.memory_space<vmem>>, vector<16xf32>,
      %swap3A_105 = vector.shape_cast %swap3A_104 : vector<16xf32> to vector<16xf32>
      %swap3A_106 = vector.shape_cast %broadcast_in_dim3A_7 : vector<16xf32> to vector<16xf32>
      tpu.vector_store %arg8[%swap3A_103], %swap3A_106 {strides = array<i32>} : memref<2560xf32, #tpu.memory_space<vmem>>, vector<16xf32>,
      %swap3A_107 = arith.constant 400 : index
      %swap3A_108 = tpu.vector_load %arg8[%swap3A_107] {strides = array<i32>} : memref<2560xf32, #tpu.memory_space<vmem>>, vector<16xf32>,
      %swap3A_109 = vector.shape_cast %swap3A_108 : vector<16xf32> to vector<16xf32>
      %swap3A_110 = vector.shape_cast %broadcast_in_dim3A_7 : vector<16xf32> to vector<16xf32>
      tpu.vector_store %arg8[%swap3A_107], %swap3A_110 {strides = array<i32>} : memref<2560xf32, #tpu.memory_space<vmem>>, vector<16xf32>,
      %swap3A_111 = arith.constant 416 : index
      %swap3A_112 = tpu.vector_load %arg8[%swap3A_111] {strides = array<i32>} : memref<2560xf32, #tpu.memory_space<vmem>>, vector<16xf32>,
      %swap3A_113 = vector.shape_cast %swap3A_112 : vector<16xf32> to vector<16xf32>
      %swap3A_114 = vector.shape_cast %broadcast_in_dim3A_7 : vector<16xf32> to vector<16xf32>
      tpu.vector_store %arg8[%swap3A_111], %swap3A_114 {strides = array<i32>} : memref<2560xf32, #tpu.memory_space<vmem>>, vector<16xf32>,
      %swap3A_115 = arith.constant 432 : index
      %swap3A_116 = tpu.vector_load %arg8[%swap3A_115] {strides = array<i32>} : memref<2560xf32, #tpu.memory_space<vmem>>, vector<16xf32>,
      %swap3A_117 = vector.shape_cast %swap3A_116 : vector<16xf32> to vector<16xf32>
      %swap3A_118 = vector.shape_cast %broadcast_in_dim3A_7 : vector<16xf32> to vector<16xf32>
      tpu.vector_store %arg8[%swap3A_115], %swap3A_118 {strides = array<i32>} : memref<2560xf32, #tpu.memory_space<vmem>>, vector<16xf32>,
      %swap3A_119 = arith.constant 448 : index
      %swap3A_120 = tpu.vector_load %arg8[%swap3A_119] {strides = array<i32>} : memref<2560xf32, #tpu.memory_space<vmem>>, vector<16xf32>,
      %swap3A_121 = vector.shape_cast %swap3A_120 : vector<16xf32> to vector<16xf32>
      %swap3A_122 = vector.shape_cast %broadcast_in_dim3A_7 : vector<16xf32> to vector<16xf32>
      tpu.vector_store %arg8[%swap3A_119], %swap3A_122 {strides = array<i32>} : memref<2560xf32, #tpu.memory_space<vmem>>, vector<16xf32>,
      %swap3A_123 = arith.constant 464 : index
      %swap3A_124 = tpu.vector_load %arg8[%swap3A_123] {strides = array<i32>} : memref<2560xf32, #tpu.memory_space<vmem>>, vector<16xf32>,
      %swap3A_125 = vector.shape_cast %swap3A_124 : vector<16xf32> to vector<16xf32>
      %swap3A_126 = vector.shape_cast %broadcast_in_dim3A_7 : vector<16xf32> to vector<16xf32>
      tpu.vector_store %arg8[%swap3A_123], %swap3A_126 {strides = array<i32>} : memref<2560xf32, #tpu.memory_space<vmem>>, vector<16xf32>,
      %swap3A_127 = arith.constant 480 : index
      %swap3A_128 = tpu.vector_load %arg8[%swap3A_127] {strides = array<i32>} : memref<2560xf32, #tpu.memory_space<vmem>>, vector<16xf32>,
      %swap3A_129 = vector.shape_cast %swap3A_128 : vector<16xf32> to vector<16xf32>
      %swap3A_130 = vector.shape_cast %broadcast_in_dim3A_7 : vector<16xf32> to vector<16xf32>
      tpu.vector_store %arg8[%swap3A_127], %swap3A_130 {strides = array<i32>} : memref<2560xf32, #tpu.memory_space<vmem>>, vector<16xf32>,
      %swap3A_131 = arith.constant 496 : index
      %swap3A_132 = tpu.vector_load %arg8[%swap3A_131] {strides = array<i32>} : memref<2560xf32, #tpu.memory_space<vmem>>, vector<16xf32>,
      %swap3A_133 = vector.shape_cast %swap3A_132 : vector<16xf32> to vector<16xf32>
      %swap3A_134 = vector.shape_cast %broadcast_in_dim3A_7 : vector<16xf32> to vector<16xf32>
      tpu.vector_store %arg8[%swap3A_131], %swap3A_134 {strides = array<i32>} : memref<2560xf32, #tpu.memory_space<vmem>>, vector<16xf32>,
      %swap3A_135 = arith.constant 512 : index
      %swap3A_136 = tpu.vector_load %arg8[%swap3A_135] {strides = array<i32>} : memref<2560xf32, #tpu.memory_space<vmem>>, vector<16xf32>,
      %swap3A_137 = vector.shape_cast %swap3A_136 : vector<16xf32> to vector<16xf32>
      %swap3A_138 = vector.shape_cast %broadcast_in_dim3A_7 : vector<16xf32> to vector<16xf32>
      tpu.vector_store %arg8[%swap3A_135], %swap3A_138 {strides = array<i32>} : memref<2560xf32, #tpu.memory_space<vmem>>, vector<16xf32>,
      %swap3A_139 = arith.constant 528 : index
      %swap3A_140 = tpu.vector_load %arg8[%swap3A_139] {strides = array<i32>} : memref<2560xf32, #tpu.memory_space<vmem>>, vector<16xf32>,
      %swap3A_141 = vector.shape_cast %swap3A_140 : vector<16xf32> to vector<16xf32>
      %swap3A_142 = vector.shape_cast %broadcast_in_dim3A_7 : vector<16xf32> to vector<16xf32>
      tpu.vector_store %arg8[%swap3A_139], %swap3A_142 {strides = array<i32>} : memref<2560xf32, #tpu.memory_space<vmem>>, vector<16xf32>,
      %swap3A_143 = arith.constant 544 : index
      %swap3A_144 = tpu.vector_load %arg8[%swap3A_143] {strides = array<i32>} : memref<2560xf32, #tpu.memory_space<vmem>>, vector<16xf32>,
      %swap3A_145 = vector.shape_cast %swap3A_144 : vector<16xf32> to vector<16xf32>
      %swap3A_146 = vector.shape_cast %broadcast_in_dim3A_7 : vector<16xf32> to vector<16xf32>
      tpu.vector_store %arg8[%swap3A_143], %swap3A_146 {strides = array<i32>} : memref<2560xf32, #tpu.memory_space<vmem>>, vector<16xf32>,
      %swap3A_147 = arith.constant 560 : index
      %swap3A_148 = tpu.vector_load %arg8[%swap3A_147] {strides = array<i32>} : memref<2560xf32, #tpu.memory_space<vmem>>, vector<16xf32>,
      %swap3A_149 = vector.shape_cast %swap3A_148 : vector<16xf32> to vector<16xf32>
      %swap3A_150 = vector.shape_cast %broadcast_in_dim3A_7 : vector<16xf32> to vector<16xf32>
      tpu.vector_store %arg8[%swap3A_147], %swap3A_150 {strides = array<i32>} : memref<2560xf32, #tpu.memory_space<vmem>>, vector<16xf32>,
      %swap3A_151 = arith.constant 576 : index
      %swap3A_152 = tpu.vector_load %arg8[%swap3A_151] {strides = array<i32>} : memref<2560xf32, #tpu.memory_space<vmem>>, vector<16xf32>,
      %swap3A_153 = vector.shape_cast %swap3A_152 : vector<16xf32> to vector<16xf32>
      %swap3A_154 = vector.shape_cast %broadcast_in_dim3A_7 : vector<16xf32> to vector<16xf32>
      tpu.vector_store %arg8[%swap3A_151], %swap3A_154 {strides = array<i32>} : memref<2560xf32, #tpu.memory_space<vmem>>, vector<16xf32>,
      %swap3A_155 = arith.constant 592 : index
      %swap3A_156 = tpu.vector_load %arg8[%swap3A_155] {strides = array<i32>} : memref<2560xf32, #tpu.memory_space<vmem>>, vector<16xf32>,
      %swap3A_157 = vector.shape_cast %swap3A_156 : vector<16xf32> to vector<16xf32>
      %swap3A_158 = vector.shape_cast %broadcast_in_dim3A_7 : vector<16xf32> to vector<16xf32>
      tpu.vector_store %arg8[%swap3A_155], %swap3A_158 {strides = array<i32>} : memref<2560xf32, #tpu.memory_space<vmem>>, vector<16xf32>,
      %swap3A_159 = arith.constant 608 : index
      %swap3A_160 = tpu.vector_load %arg8[%swap3A_159] {strides = array<i32>} : memref<2560xf32, #tpu.memory_space<vmem>>, vector<16xf32>,
      %swap3A_161 = vector.shape_cast %swap3A_160 : vector<16xf32> to vector<16xf32>
      %swap3A_162 = vector.shape_cast %broadcast_in_dim3A_7 : vector<16xf32> to vector<16xf32>
      tpu.vector_store %arg8[%swap3A_159], %swap3A_162 {strides = array<i32>} : memref<2560xf32, #tpu.memory_space<vmem>>, vector<16xf32>,
      %swap3A_163 = arith.constant 624 : index
      %swap3A_164 = tpu.vector_load %arg8[%swap3A_163] {strides = array<i32>} : memref<2560xf32, #tpu.memory_space<vmem>>, vector<16xf32>,
      %swap3A_165 = vector.shape_cast %swap3A_164 : vector<16xf32> to vector<16xf32>
      %swap3A_166 = vector.shape_cast %broadcast_in_dim3A_7 : vector<16xf32> to vector<16xf32>
      tpu.vector_store %arg8[%swap3A_163], %swap3A_166 {strides = array<i32>} : memref<2560xf32, #tpu.memory_space<vmem>>, vector<16xf32>,
      %swap3A_167 = arith.constant 640 : index
      %swap3A_168 = tpu.vector_load %arg8[%swap3A_167] {strides = array<i32>} : memref<2560xf32, #tpu.memory_space<vmem>>, vector<16xf32>,
      %swap3A_169 = vector.shape_cast %swap3A_168 : vector<16xf32> to vector<16xf32>
      %swap3A_170 = vector.shape_cast %broadcast_in_dim3A_7 : vector<16xf32> to vector<16xf32>
      tpu.vector_store %arg8[%swap3A_167], %swap3A_170 {strides = array<i32>} : memref<2560xf32, #tpu.memory_space<vmem>>, vector<16xf32>,
      %swap3A_171 = arith.constant 656 : index
      %swap3A_172 = tpu.vector_load %arg8[%swap3A_171] {strides = array<i32>} : memref<2560xf32, #tpu.memory_space<vmem>>, vector<16xf32>,
      %swap3A_173 = vector.shape_cast %swap3A_172 : vector<16xf32> to vector<16xf32>
      %swap3A_174 = vector.shape_cast %broadcast_in_dim3A_7 : vector<16xf32> to vector<16xf32>
      tpu.vector_store %arg8[%swap3A_171], %swap3A_174 {strides = array<i32>} : memref<2560xf32, #tpu.memory_space<vmem>>, vector<16xf32>,
      %swap3A_175 = arith.constant 672 : index
      %swap3A_176 = tpu.vector_load %arg8[%swap3A_175] {strides = array<i32>} : memref<2560xf32, #tpu.memory_space<vmem>>, vector<16xf32>,
      %swap3A_177 = vector.shape_cast %swap3A_176 : vector<16xf32> to vector<16xf32>
      %swap3A_178 = vector.shape_cast %broadcast_in_dim3A_7 : vector<16xf32> to vector<16xf32>
      tpu.vector_store %arg8[%swap3A_175], %swap3A_178 {strides = array<i32>} : memref<2560xf32, #tpu.memory_space<vmem>>, vector<16xf32>,
      %swap3A_179 = arith.constant 688 : index
      %swap3A_180 = tpu.vector_load %arg8[%swap3A_179] {strides = array<i32>} : memref<2560xf32, #tpu.memory_space<vmem>>, vector<16xf32>,
      %swap3A_181 = vector.shape_cast %swap3A_180 : vector<16xf32> to vector<16xf32>
      %swap3A_182 = vector.shape_cast %broadcast_in_dim3A_7 : vector<16xf32> to vector<16xf32>
      tpu.vector_store %arg8[%swap3A_179], %swap3A_182 {strides = array<i32>} : memref<2560xf32, #tpu.memory_space<vmem>>, vector<16xf32>,
      %swap3A_183 = arith.constant 704 : index
      %swap3A_184 = tpu.vector_load %arg8[%swap3A_183] {strides = array<i32>} : memref<2560xf32, #tpu.memory_space<vmem>>, vector<16xf32>,
      %swap3A_185 = vector.shape_cast %swap3A_184 : vector<16xf32> to vector<16xf32>
      %swap3A_186 = vector.shape_cast %broadcast_in_dim3A_7 : vector<16xf32> to vector<16xf32>
      tpu.vector_store %arg8[%swap3A_183], %swap3A_186 {strides = array<i32>} : memref<2560xf32, #tpu.memory_space<vmem>>, vector<16xf32>,
      %swap3A_187 = arith.constant 720 : index
      %swap3A_188 = tpu.vector_load %arg8[%swap3A_187] {strides = array<i32>} : memref<2560xf32, #tpu.memory_space<vmem>>, vector<16xf32>,
      %swap3A_189 = vector.shape_cast %swap3A_188 : vector<16xf32> to vector<16xf32>
      %swap3A_190 = vector.shape_cast %broadcast_in_dim3A_7 : vector<16xf32> to vector<16xf32>
      tpu.vector_store %arg8[%swap3A_187], %swap3A_190 {strides = array<i32>} : memref<2560xf32, #tpu.memory_space<vmem>>, vector<16xf32>,
      %swap3A_191 = arith.constant 736 : index
      %swap3A_192 = tpu.vector_load %arg8[%swap3A_191] {strides = array<i32>} : memref<2560xf32, #tpu.memory_space<vmem>>, vector<16xf32>,
      %swap3A_193 = vector.shape_cast %swap3A_192 : vector<16xf32> to vector<16xf32>
      %swap3A_194 = vector.shape_cast %broadcast_in_dim3A_7 : vector<16xf32> to vector<16xf32>
      tpu.vector_store %arg8[%swap3A_191], %swap3A_194 {strides = array<i32>} : memref<2560xf32, #tpu.memory_space<vmem>>, vector<16xf32>,
      %swap3A_195 = arith.constant 752 : index
      %swap3A_196 = tpu.vector_load %arg8[%swap3A_195] {strides = array<i32>} : memref<2560xf32, #tpu.memory_space<vmem>>, vector<16xf32>,
      %swap3A_197 = vector.shape_cast %swap3A_196 : vector<16xf32> to vector<16xf32>
      %swap3A_198 = vector.shape_cast %broadcast_in_dim3A_7 : vector<16xf32> to vector<16xf32>
      tpu.vector_store %arg8[%swap3A_195], %swap3A_198 {strides = array<i32>} : memref<2560xf32, #tpu.memory_space<vmem>>, vector<16xf32>,
      %swap3A_199 = arith.constant 768 : index
      %swap3A_200 = tpu.vector_load %arg8[%swap3A_199] {strides = array<i32>} : memref<2560xf32, #tpu.memory_space<vmem>>, vector<16xf32>,
      %swap3A_201 = vector.shape_cast %swap3A_200 : vector<16xf32> to vector<16xf32>
      %swap3A_202 = vector.shape_cast %broadcast_in_dim3A_7 : vector<16xf32> to vector<16xf32>
      tpu.vector_store %arg8[%swap3A_199], %swap3A_202 {strides = array<i32>} : memref<2560xf32, #tpu.memory_space<vmem>>, vector<16xf32>,
      %swap3A_203 = arith.constant 784 : index
      %swap3A_204 = tpu.vector_load %arg8[%swap3A_203] {strides = array<i32>} : memref<2560xf32, #tpu.memory_space<vmem>>, vector<16xf32>,
      %swap3A_205 = vector.shape_cast %swap3A_204 : vector<16xf32> to vector<16xf32>
      %swap3A_206 = vector.shape_cast %broadcast_in_dim3A_7 : vector<16xf32> to vector<16xf32>
      tpu.vector_store %arg8[%swap3A_203], %swap3A_206 {strides = array<i32>} : memref<2560xf32, #tpu.memory_space<vmem>>, vector<16xf32>,
      %swap3A_207 = arith.constant 800 : index
      %swap3A_208 = tpu.vector_load %arg8[%swap3A_207] {strides = array<i32>} : memref<2560xf32, #tpu.memory_space<vmem>>, vector<16xf32>,
      %swap3A_209 = vector.shape_cast %swap3A_208 : vector<16xf32> to vector<16xf32>
      %swap3A_210 = vector.shape_cast %broadcast_in_dim3A_7 : vector<16xf32> to vector<16xf32>
      tpu.vector_store %arg8[%swap3A_207], %swap3A_210 {strides = array<i32>} : memref<2560xf32, #tpu.memory_space<vmem>>, vector<16xf32>,
      %swap3A_211 = arith.constant 816 : index
      %swap3A_212 = tpu.vector_load %arg8[%swap3A_211] {strides = array<i32>} : memref<2560xf32, #tpu.memory_space<vmem>>, vector<16xf32>,
      %swap3A_213 = vector.shape_cast %swap3A_212 : vector<16xf32> to vector<16xf32>
      %swap3A_214 = vector.shape_cast %broadcast_in_dim3A_7 : vector<16xf32> to vector<16xf32>
      tpu.vector_store %arg8[%swap3A_211], %swap3A_214 {strides = array<i32>} : memref<2560xf32, #tpu.memory_space<vmem>>, vector<16xf32>,
      %swap3A_215 = arith.constant 832 : index
      %swap3A_216 = tpu.vector_load %arg8[%swap3A_215] {strides = array<i32>} : memref<2560xf32, #tpu.memory_space<vmem>>, vector<16xf32>,
      %swap3A_217 = vector.shape_cast %swap3A_216 : vector<16xf32> to vector<16xf32>
      %swap3A_218 = vector.shape_cast %broadcast_in_dim3A_7 : vector<16xf32> to vector<16xf32>
      tpu.vector_store %arg8[%swap3A_215], %swap3A_218 {strides = array<i32>} : memref<2560xf32, #tpu.memory_space<vmem>>, vector<16xf32>,
      %swap3A_219 = arith.constant 848 : index
      %swap3A_220 = tpu.vector_load %arg8[%swap3A_219] {strides = array<i32>} : memref<2560xf32, #tpu.memory_space<vmem>>, vector<16xf32>,
      %swap3A_221 = vector.shape_cast %swap3A_220 : vector<16xf32> to vector<16xf32>
      %swap3A_222 = vector.shape_cast %broadcast_in_dim3A_7 : vector<16xf32> to vector<16xf32>
      tpu.vector_store %arg8[%swap3A_219], %swap3A_222 {strides = array<i32>} : memref<2560xf32, #tpu.memory_space<vmem>>, vector<16xf32>,
      %swap3A_223 = arith.constant 864 : index
      %swap3A_224 = tpu.vector_load %arg8[%swap3A_223] {strides = array<i32>} : memref<2560xf32, #tpu.memory_space<vmem>>, vector<16xf32>,
      %swap3A_225 = vector.shape_cast %swap3A_224 : vector<16xf32> to vector<16xf32>
      %swap3A_226 = vector.shape_cast %broadcast_in_dim3A_7 : vector<16xf32> to vector<16xf32>
      tpu.vector_store %arg8[%swap3A_223], %swap3A_226 {strides = array<i32>} : memref<2560xf32, #tpu.memory_space<vmem>>, vector<16xf32>,
      %swap3A_227 = arith.constant 880 : index
      %swap3A_228 = tpu.vector_load %arg8[%swap3A_227] {strides = array<i32>} : memref<2560xf32, #tpu.memory_space<vmem>>, vector<16xf32>,
      %swap3A_229 = vector.shape_cast %swap3A_228 : vector<16xf32> to vector<16xf32>
      %swap3A_230 = vector.shape_cast %broadcast_in_dim3A_7 : vector<16xf32> to vector<16xf32>
      tpu.vector_store %arg8[%swap3A_227], %swap3A_230 {strides = array<i32>} : memref<2560xf32, #tpu.memory_space<vmem>>, vector<16xf32>,
      %swap3A_231 = arith.constant 896 : index
      %swap3A_232 = tpu.vector_load %arg8[%swap3A_231] {strides = array<i32>} : memref<2560xf32, #tpu.memory_space<vmem>>, vector<16xf32>,
      %swap3A_233 = vector.shape_cast %swap3A_232 : vector<16xf32> to vector<16xf32>
      %swap3A_234 = vector.shape_cast %broadcast_in_dim3A_7 : vector<16xf32> to vector<16xf32>
      tpu.vector_store %arg8[%swap3A_231], %swap3A_234 {strides = array<i32>} : memref<2560xf32, #tpu.memory_space<vmem>>, vector<16xf32>,
      %swap3A_235 = arith.constant 912 : index
      %swap3A_236 = tpu.vector_load %arg8[%swap3A_235] {strides = array<i32>} : memref<2560xf32, #tpu.memory_space<vmem>>, vector<16xf32>,
      %swap3A_237 = vector.shape_cast %swap3A_236 : vector<16xf32> to vector<16xf32>
      %swap3A_238 = vector.shape_cast %broadcast_in_dim3A_7 : vector<16xf32> to vector<16xf32>
      tpu.vector_store %arg8[%swap3A_235], %swap3A_238 {strides = array<i32>} : memref<2560xf32, #tpu.memory_space<vmem>>, vector<16xf32>,
      %swap3A_239 = arith.constant 928 : index
      %swap3A_240 = tpu.vector_load %arg8[%swap3A_239] {strides = array<i32>} : memref<2560xf32, #tpu.memory_space<vmem>>, vector<16xf32>,
      %swap3A_241 = vector.shape_cast %swap3A_240 : vector<16xf32> to vector<16xf32>
      %swap3A_242 = vector.shape_cast %broadcast_in_dim3A_7 : vector<16xf32> to vector<16xf32>
      tpu.vector_store %arg8[%swap3A_239], %swap3A_242 {strides = array<i32>} : memref<2560xf32, #tpu.memory_space<vmem>>, vector<16xf32>,
      %swap3A_243 = arith.constant 944 : index
      %swap3A_244 = tpu.vector_load %arg8[%swap3A_243] {strides = array<i32>} : memref<2560xf32, #tpu.memory_space<vmem>>, vector<16xf32>,
      %swap3A_245 = vector.shape_cast %swap3A_244 : vector<16xf32> to vector<16xf32>
      %swap3A_246 = vector.shape_cast %broadcast_in_dim3A_7 : vector<16xf32> to vector<16xf32>
      tpu.vector_store %arg8[%swap3A_243], %swap3A_246 {strides = array<i32>} : memref<2560xf32, #tpu.memory_space<vmem>>, vector<16xf32>,
      %swap3A_247 = arith.constant 960 : index
      %swap3A_248 = tpu.vector_load %arg8[%swap3A_247] {strides = array<i32>} : memref<2560xf32, #tpu.memory_space<vmem>>, vector<16xf32>,
      %swap3A_249 = vector.shape_cast %swap3A_248 : vector<16xf32> to vector<16xf32>
      %swap3A_250 = vector.shape_cast %broadcast_in_dim3A_7 : vector<16xf32> to vector<16xf32>
      tpu.vector_store %arg8[%swap3A_247], %swap3A_250 {strides = array<i32>} : memref<2560xf32, #tpu.memory_space<vmem>>, vector<16xf32>,
      %swap3A_251 = arith.constant 976 : index
      %swap3A_252 = tpu.vector_load %arg8[%swap3A_251] {strides = array<i32>} : memref<2560xf32, #tpu.memory_space<vmem>>, vector<16xf32>,
      %swap3A_253 = vector.shape_cast %swap3A_252 : vector<16xf32> to vector<16xf32>
      %swap3A_254 = vector.shape_cast %broadcast_in_dim3A_7 : vector<16xf32> to vector<16xf32>
      tpu.vector_store %arg8[%swap3A_251], %swap3A_254 {strides = array<i32>} : memref<2560xf32, #tpu.memory_space<vmem>>, vector<16xf32>,
      %swap3A_255 = arith.constant 992 : index
      %swap3A_256 = tpu.vector_load %arg8[%swap3A_255] {strides = array<i32>} : memref<2560xf32, #tpu.memory_space<vmem>>, vector<16xf32>,
      %swap3A_257 = vector.shape_cast %swap3A_256 : vector<16xf32> to vector<16xf32>
      %swap3A_258 = vector.shape_cast %broadcast_in_dim3A_7 : vector<16xf32> to vector<16xf32>
      tpu.vector_store %arg8[%swap3A_255], %swap3A_258 {strides = array<i32>} : memref<2560xf32, #tpu.memory_space<vmem>>, vector<16xf32>,
      %swap3A_259 = arith.constant 1008 : index
      %swap3A_260 = tpu.vector_load %arg8[%swap3A_259] {strides = array<i32>} : memref<2560xf32, #tpu.memory_space<vmem>>, vector<16xf32>,
      %swap3A_261 = vector.shape_cast %swap3A_260 : vector<16xf32> to vector<16xf32>
      %swap3A_262 = vector.shape_cast %broadcast_in_dim3A_7 : vector<16xf32> to vector<16xf32>
      tpu.vector_store %arg8[%swap3A_259], %swap3A_262 {strides = array<i32>} : memref<2560xf32, #tpu.memory_space<vmem>>, vector<16xf32>,
      %swap3A_263 = arith.constant 1024 : index
      %swap3A_264 = tpu.vector_load %arg8[%swap3A_263] {strides = array<i32>} : memref<2560xf32, #tpu.memory_space<vmem>>, vector<16xf32>,
      %swap3A_265 = vector.shape_cast %swap3A_264 : vector<16xf32> to vector<16xf32>
      %swap3A_266 = vector.shape_cast %broadcast_in_dim3A_7 : vector<16xf32> to vector<16xf32>
      tpu.vector_store %arg8[%swap3A_263], %swap3A_266 {strides = array<i32>} : memref<2560xf32, #tpu.memory_space<vmem>>, vector<16xf32>,
      %swap3A_267 = arith.constant 1040 : index
      %swap3A_268 = tpu.vector_load %arg8[%swap3A_267] {strides = array<i32>} : memref<2560xf32, #tpu.memory_space<vmem>>, vector<16xf32>,
      %swap3A_269 = vector.shape_cast %swap3A_268 : vector<16xf32> to vector<16xf32>
      %swap3A_270 = vector.shape_cast %broadcast_in_dim3A_7 : vector<16xf32> to vector<16xf32>
      tpu.vector_store %arg8[%swap3A_267], %swap3A_270 {strides = array<i32>} : memref<2560xf32, #tpu.memory_space<vmem>>, vector<16xf32>,
      %swap3A_271 = arith.constant 1056 : index
      %swap3A_272 = tpu.vector_load %arg8[%swap3A_271] {strides = array<i32>} : memref<2560xf32, #tpu.memory_space<vmem>>, vector<16xf32>,
      %swap3A_273 = vector.shape_cast %swap3A_272 : vector<16xf32> to vector<16xf32>
      %swap3A_274 = vector.shape_cast %broadcast_in_dim3A_7 : vector<16xf32> to vector<16xf32>
      tpu.vector_store %arg8[%swap3A_271], %swap3A_274 {strides = array<i32>} : memref<2560xf32, #tpu.memory_space<vmem>>, vector<16xf32>,
      %swap3A_275 = arith.constant 1072 : index
      %swap3A_276 = tpu.vector_load %arg8[%swap3A_275] {strides = array<i32>} : memref<2560xf32, #tpu.memory_space<vmem>>, vector<16xf32>,
      %swap3A_277 = vector.shape_cast %swap3A_276 : vector<16xf32> to vector<16xf32>
      %swap3A_278 = vector.shape_cast %broadcast_in_dim3A_7 : vector<16xf32> to vector<16xf32>
      tpu.vector_store %arg8[%swap3A_275], %swap3A_278 {strides = array<i32>} : memref<2560xf32, #tpu.memory_space<vmem>>, vector<16xf32>,
      %swap3A_279 = arith.constant 1088 : index
      %swap3A_280 = tpu.vector_load %arg8[%swap3A_279] {strides = array<i32>} : memref<2560xf32, #tpu.memory_space<vmem>>, vector<16xf32>,
      %swap3A_281 = vector.shape_cast %swap3A_280 : vector<16xf32> to vector<16xf32>
      %swap3A_282 = vector.shape_cast %broadcast_in_dim3A_7 : vector<16xf32> to vector<16xf32>
      tpu.vector_store %arg8[%swap3A_279], %swap3A_282 {strides = array<i32>} : memref<2560xf32, #tpu.memory_space<vmem>>, vector<16xf32>,
      %swap3A_283 = arith.constant 1104 : index
      %swap3A_284 = tpu.vector_load %arg8[%swap3A_283] {strides = array<i32>} : memref<2560xf32, #tpu.memory_space<vmem>>, vector<16xf32>,
      %swap3A_285 = vector.shape_cast %swap3A_284 : vector<16xf32> to vector<16xf32>
      %swap3A_286 = vector.shape_cast %broadcast_in_dim3A_7 : vector<16xf32> to vector<16xf32>
      tpu.vector_store %arg8[%swap3A_283], %swap3A_286 {strides = array<i32>} : memref<2560xf32, #tpu.memory_space<vmem>>, vector<16xf32>,
      %swap3A_287 = arith.constant 1120 : index
      %swap3A_288 = tpu.vector_load %arg8[%swap3A_287] {strides = array<i32>} : memref<2560xf32, #tpu.memory_space<vmem>>, vector<16xf32>,
      %swap3A_289 = vector.shape_cast %swap3A_288 : vector<16xf32> to vector<16xf32>
      %swap3A_290 = vector.shape_cast %broadcast_in_dim3A_7 : vector<16xf32> to vector<16xf32>
      tpu.vector_store %arg8[%swap3A_287], %swap3A_290 {strides = array<i32>} : memref<2560xf32, #tpu.memory_space<vmem>>, vector<16xf32>,
      %swap3A_291 = arith.constant 1136 : index
      %swap3A_292 = tpu.vector_load %arg8[%swap3A_291] {strides = array<i32>} : memref<2560xf32, #tpu.memory_space<vmem>>, vector<16xf32>,
      %swap3A_293 = vector.shape_cast %swap3A_292 : vector<16xf32> to vector<16xf32>
      %swap3A_294 = vector.shape_cast %broadcast_in_dim3A_7 : vector<16xf32> to vector<16xf32>
      tpu.vector_store %arg8[%swap3A_291], %swap3A_294 {strides = array<i32>} : memref<2560xf32, #tpu.memory_space<vmem>>, vector<16xf32>,
      %swap3A_295 = arith.constant 1152 : index
      %swap3A_296 = tpu.vector_load %arg8[%swap3A_295] {strides = array<i32>} : memref<2560xf32, #tpu.memory_space<vmem>>, vector<16xf32>,
      %swap3A_297 = vector.shape_cast %swap3A_296 : vector<16xf32> to vector<16xf32>
      %swap3A_298 = vector.shape_cast %broadcast_in_dim3A_7 : vector<16xf32> to vector<16xf32>
      tpu.vector_store %arg8[%swap3A_295], %swap3A_298 {strides = array<i32>} : memref<2560xf32, #tpu.memory_space<vmem>>, vector<16xf32>,
      %swap3A_299 = arith.constant 1168 : index
      %swap3A_300 = tpu.vector_load %arg8[%swap3A_299] {strides = array<i32>} : memref<2560xf32, #tpu.memory_space<vmem>>, vector<16xf32>,
      %swap3A_301 = vector.shape_cast %swap3A_300 : vector<16xf32> to vector<16xf32>
      %swap3A_302 = vector.shape_cast %broadcast_in_dim3A_7 : vector<16xf32> to vector<16xf32>
      tpu.vector_store %arg8[%swap3A_299], %swap3A_302 {strides = array<i32>} : memref<2560xf32, #tpu.memory_space<vmem>>, vector<16xf32>,
      %swap3A_303 = arith.constant 1184 : index
      %swap3A_304 = tpu.vector_load %arg8[%swap3A_303] {strides = array<i32>} : memref<2560xf32, #tpu.memory_space<vmem>>, vector<16xf32>,
      %swap3A_305 = vector.shape_cast %swap3A_304 : vector<16xf32> to vector<16xf32>
      %swap3A_306 = vector.shape_cast %broadcast_in_dim3A_7 : vector<16xf32> to vector<16xf32>
      tpu.vector_store %arg8[%swap3A_303], %swap3A_306 {strides = array<i32>} : memref<2560xf32, #tpu.memory_space<vmem>>, vector<16xf32>,
      %swap3A_307 = arith.constant 1200 : index
      %swap3A_308 = tpu.vector_load %arg8[%swap3A_307] {strides = array<i32>} : memref<2560xf32, #tpu.memory_space<vmem>>, vector<16xf32>,
      %swap3A_309 = vector.shape_cast %swap3A_308 : vector<16xf32> to vector<16xf32>
      %swap3A_310 = vector.shape_cast %broadcast_in_dim3A_7 : vector<16xf32> to vector<16xf32>
      tpu.vector_store %arg8[%swap3A_307], %swap3A_310 {strides = array<i32>} : memref<2560xf32, #tpu.memory_space<vmem>>, vector<16xf32>,
      %swap3A_311 = arith.constant 1216 : index
      %swap3A_312 = tpu.vector_load %arg8[%swap3A_311] {strides = array<i32>} : memref<2560xf32, #tpu.memory_space<vmem>>, vector<16xf32>,
      %swap3A_313 = vector.shape_cast %swap3A_312 : vector<16xf32> to vector<16xf32>
      %swap3A_314 = vector.shape_cast %broadcast_in_dim3A_7 : vector<16xf32> to vector<16xf32>
      tpu.vector_store %arg8[%swap3A_311], %swap3A_314 {strides = array<i32>} : memref<2560xf32, #tpu.memory_space<vmem>>, vector<16xf32>,
      %swap3A_315 = arith.constant 1232 : index
      %swap3A_316 = tpu.vector_load %arg8[%swap3A_315] {strides = array<i32>} : memref<2560xf32, #tpu.memory_space<vmem>>, vector<16xf32>,
      %swap3A_317 = vector.shape_cast %swap3A_316 : vector<16xf32> to vector<16xf32>
      %swap3A_318 = vector.shape_cast %broadcast_in_dim3A_7 : vector<16xf32> to vector<16xf32>
      tpu.vector_store %arg8[%swap3A_315], %swap3A_318 {strides = array<i32>} : memref<2560xf32, #tpu.memory_space<vmem>>, vector<16xf32>,
      %swap3A_319 = arith.constant 1248 : index
      %swap3A_320 = tpu.vector_load %arg8[%swap3A_319] {strides = array<i32>} : memref<2560xf32, #tpu.memory_space<vmem>>, vector<16xf32>,
      %swap3A_321 = vector.shape_cast %swap3A_320 : vector<16xf32> to vector<16xf32>
      %swap3A_322 = vector.shape_cast %broadcast_in_dim3A_7 : vector<16xf32> to vector<16xf32>
      tpu.vector_store %arg8[%swap3A_319], %swap3A_322 {strides = array<i32>} : memref<2560xf32, #tpu.memory_space<vmem>>, vector<16xf32>,
      %swap3A_323 = arith.constant 1264 : index
      %swap3A_324 = tpu.vector_load %arg8[%swap3A_323] {strides = array<i32>} : memref<2560xf32, #tpu.memory_space<vmem>>, vector<16xf32>,
      %swap3A_325 = vector.shape_cast %swap3A_324 : vector<16xf32> to vector<16xf32>
      %swap3A_326 = vector.shape_cast %broadcast_in_dim3A_7 : vector<16xf32> to vector<16xf32>
      tpu.vector_store %arg8[%swap3A_323], %swap3A_326 {strides = array<i32>} : memref<2560xf32, #tpu.memory_space<vmem>>, vector<16xf32>,
      %swap3A_327 = arith.constant 1280 : index
      %swap3A_328 = tpu.vector_load %arg8[%swap3A_327] {strides = array<i32>} : memref<2560xf32, #tpu.memory_space<vmem>>, vector<16xf32>,
      %swap3A_329 = vector.shape_cast %swap3A_328 : vector<16xf32> to vector<16xf32>
      %swap3A_330 = vector.shape_cast %broadcast_in_dim3A_7 : vector<16xf32> to vector<16xf32>
      tpu.vector_store %arg8[%swap3A_327], %swap3A_330 {strides = array<i32>} : memref<2560xf32, #tpu.memory_space<vmem>>, vector<16xf32>,
      %swap3A_331 = arith.constant 1296 : index
      %swap3A_332 = tpu.vector_load %arg8[%swap3A_331] {strides = array<i32>} : memref<2560xf32, #tpu.memory_space<vmem>>, vector<16xf32>,
      %swap3A_333 = vector.shape_cast %swap3A_332 : vector<16xf32> to vector<16xf32>
      %swap3A_334 = vector.shape_cast %broadcast_in_dim3A_7 : vector<16xf32> to vector<16xf32>
      tpu.vector_store %arg8[%swap3A_331], %swap3A_334 {strides = array<i32>} : memref<2560xf32, #tpu.memory_space<vmem>>, vector<16xf32>,
      %swap3A_335 = arith.constant 1312 : index
      %swap3A_336 = tpu.vector_load %arg8[%swap3A_335] {strides = array<i32>} : memref<2560xf32, #tpu.memory_space<vmem>>, vector<16xf32>,
      %swap3A_337 = vector.shape_cast %swap3A_336 : vector<16xf32> to vector<16xf32>
      %swap3A_338 = vector.shape_cast %broadcast_in_dim3A_7 : vector<16xf32> to vector<16xf32>
      tpu.vector_store %arg8[%swap3A_335], %swap3A_338 {strides = array<i32>} : memref<2560xf32, #tpu.memory_space<vmem>>, vector<16xf32>,
      %swap3A_339 = arith.constant 1328 : index
      %swap3A_340 = tpu.vector_load %arg8[%swap3A_339] {strides = array<i32>} : memref<2560xf32, #tpu.memory_space<vmem>>, vector<16xf32>,
      %swap3A_341 = vector.shape_cast %swap3A_340 : vector<16xf32> to vector<16xf32>
      %swap3A_342 = vector.shape_cast %broadcast_in_dim3A_7 : vector<16xf32> to vector<16xf32>
      tpu.vector_store %arg8[%swap3A_339], %swap3A_342 {strides = array<i32>} : memref<2560xf32, #tpu.memory_space<vmem>>, vector<16xf32>,
      %swap3A_343 = arith.constant 1344 : index
      %swap3A_344 = tpu.vector_load %arg8[%swap3A_343] {strides = array<i32>} : memref<2560xf32, #tpu.memory_space<vmem>>, vector<16xf32>,
      %swap3A_345 = vector.shape_cast %swap3A_344 : vector<16xf32> to vector<16xf32>
      %swap3A_346 = vector.shape_cast %broadcast_in_dim3A_7 : vector<16xf32> to vector<16xf32>
      tpu.vector_store %arg8[%swap3A_343], %swap3A_346 {strides = array<i32>} : memref<2560xf32, #tpu.memory_space<vmem>>, vector<16xf32>,
      %swap3A_347 = arith.constant 1360 : index
      %swap3A_348 = tpu.vector_load %arg8[%swap3A_347] {strides = array<i32>} : memref<2560xf32, #tpu.memory_space<vmem>>, vector<16xf32>,
      %swap3A_349 = vector.shape_cast %swap3A_348 : vector<16xf32> to vector<16xf32>
      %swap3A_350 = vector.shape_cast %broadcast_in_dim3A_7 : vector<16xf32> to vector<16xf32>
      tpu.vector_store %arg8[%swap3A_347], %swap3A_350 {strides = array<i32>} : memref<2560xf32, #tpu.memory_space<vmem>>, vector<16xf32>,
      %swap3A_351 = arith.constant 1376 : index
      %swap3A_352 = tpu.vector_load %arg8[%swap3A_351] {strides = array<i32>} : memref<2560xf32, #tpu.memory_space<vmem>>, vector<16xf32>,
      %swap3A_353 = vector.shape_cast %swap3A_352 : vector<16xf32> to vector<16xf32>
      %swap3A_354 = vector.shape_cast %broadcast_in_dim3A_7 : vector<16xf32> to vector<16xf32>
      tpu.vector_store %arg8[%swap3A_351], %swap3A_354 {strides = array<i32>} : memref<2560xf32, #tpu.memory_space<vmem>>, vector<16xf32>,
      %swap3A_355 = arith.constant 1392 : index
      %swap3A_356 = tpu.vector_load %arg8[%swap3A_355] {strides = array<i32>} : memref<2560xf32, #tpu.memory_space<vmem>>, vector<16xf32>,
      %swap3A_357 = vector.shape_cast %swap3A_356 : vector<16xf32> to vector<16xf32>
      %swap3A_358 = vector.shape_cast %broadcast_in_dim3A_7 : vector<16xf32> to vector<16xf32>
      tpu.vector_store %arg8[%swap3A_355], %swap3A_358 {strides = array<i32>} : memref<2560xf32, #tpu.memory_space<vmem>>, vector<16xf32>,
      %swap3A_359 = arith.constant 1408 : index
      %swap3A_360 = tpu.vector_load %arg8[%swap3A_359] {strides = array<i32>} : memref<2560xf32, #tpu.memory_space<vmem>>, vector<16xf32>,
      %swap3A_361 = vector.shape_cast %swap3A_360 : vector<16xf32> to vector<16xf32>
      %swap3A_362 = vector.shape_cast %broadcast_in_dim3A_7 : vector<16xf32> to vector<16xf32>
      tpu.vector_store %arg8[%swap3A_359], %swap3A_362 {strides = array<i32>} : memref<2560xf32, #tpu.memory_space<vmem>>, vector<16xf32>,
      %swap3A_363 = arith.constant 1424 : index
      %swap3A_364 = tpu.vector_load %arg8[%swap3A_363] {strides = array<i32>} : memref<2560xf32, #tpu.memory_space<vmem>>, vector<16xf32>,
      %swap3A_365 = vector.shape_cast %swap3A_364 : vector<16xf32> to vector<16xf32>
      %swap3A_366 = vector.shape_cast %broadcast_in_dim3A_7 : vector<16xf32> to vector<16xf32>
      tpu.vector_store %arg8[%swap3A_363], %swap3A_366 {strides = array<i32>} : memref<2560xf32, #tpu.memory_space<vmem>>, vector<16xf32>,
      %swap3A_367 = arith.constant 1440 : index
      %swap3A_368 = tpu.vector_load %arg8[%swap3A_367] {strides = array<i32>} : memref<2560xf32, #tpu.memory_space<vmem>>, vector<16xf32>,
      %swap3A_369 = vector.shape_cast %swap3A_368 : vector<16xf32> to vector<16xf32>
      %swap3A_370 = vector.shape_cast %broadcast_in_dim3A_7 : vector<16xf32> to vector<16xf32>
      tpu.vector_store %arg8[%swap3A_367], %swap3A_370 {strides = array<i32>} : memref<2560xf32, #tpu.memory_space<vmem>>, vector<16xf32>,
      %swap3A_371 = arith.constant 1456 : index
      %swap3A_372 = tpu.vector_load %arg8[%swap3A_371] {strides = array<i32>} : memref<2560xf32, #tpu.memory_space<vmem>>, vector<16xf32>,
      %swap3A_373 = vector.shape_cast %swap3A_372 : vector<16xf32> to vector<16xf32>
      %swap3A_374 = vector.shape_cast %broadcast_in_dim3A_7 : vector<16xf32> to vector<16xf32>
      tpu.vector_store %arg8[%swap3A_371], %swap3A_374 {strides = array<i32>} : memref<2560xf32, #tpu.memory_space<vmem>>, vector<16xf32>,
      %swap3A_375 = arith.constant 1472 : index
      %swap3A_376 = tpu.vector_load %arg8[%swap3A_375] {strides = array<i32>} : memref<2560xf32, #tpu.memory_space<vmem>>, vector<16xf32>,
      %swap3A_377 = vector.shape_cast %swap3A_376 : vector<16xf32> to vector<16xf32>
      %swap3A_378 = vector.shape_cast %broadcast_in_dim3A_7 : vector<16xf32> to vector<16xf32>
      tpu.vector_store %arg8[%swap3A_375], %swap3A_378 {strides = array<i32>} : memref<2560xf32, #tpu.memory_space<vmem>>, vector<16xf32>,
      %swap3A_379 = arith.constant 1488 : index
      %swap3A_380 = tpu.vector_load %arg8[%swap3A_379] {strides = array<i32>} : memref<2560xf32, #tpu.memory_space<vmem>>, vector<16xf32>,
      %swap3A_381 = vector.shape_cast %swap3A_380 : vector<16xf32> to vector<16xf32>
      %swap3A_382 = vector.shape_cast %broadcast_in_dim3A_7 : vector<16xf32> to vector<16xf32>
      tpu.vector_store %arg8[%swap3A_379], %swap3A_382 {strides = array<i32>} : memref<2560xf32, #tpu.memory_space<vmem>>, vector<16xf32>,
      %swap3A_383 = arith.constant 1504 : index
      %swap3A_384 = tpu.vector_load %arg8[%swap3A_383] {strides = array<i32>} : memref<2560xf32, #tpu.memory_space<vmem>>, vector<16xf32>,
      %swap3A_385 = vector.shape_cast %swap3A_384 : vector<16xf32> to vector<16xf32>
      %swap3A_386 = vector.shape_cast %broadcast_in_dim3A_7 : vector<16xf32> to vector<16xf32>
      tpu.vector_store %arg8[%swap3A_383], %swap3A_386 {strides = array<i32>} : memref<2560xf32, #tpu.memory_space<vmem>>, vector<16xf32>,
      %swap3A_387 = arith.constant 1520 : index
      %swap3A_388 = tpu.vector_load %arg8[%swap3A_387] {strides = array<i32>} : memref<2560xf32, #tpu.memory_space<vmem>>, vector<16xf32>,
      %swap3A_389 = vector.shape_cast %swap3A_388 : vector<16xf32> to vector<16xf32>
      %swap3A_390 = vector.shape_cast %broadcast_in_dim3A_7 : vector<16xf32> to vector<16xf32>
      tpu.vector_store %arg8[%swap3A_387], %swap3A_390 {strides = array<i32>} : memref<2560xf32, #tpu.memory_space<vmem>>, vector<16xf32>,
      %swap3A_391 = arith.constant 1536 : index
      %swap3A_392 = tpu.vector_load %arg8[%swap3A_391] {strides = array<i32>} : memref<2560xf32, #tpu.memory_space<vmem>>, vector<16xf32>,
      %swap3A_393 = vector.shape_cast %swap3A_392 : vector<16xf32> to vector<16xf32>
      %swap3A_394 = vector.shape_cast %broadcast_in_dim3A_7 : vector<16xf32> to vector<16xf32>
      tpu.vector_store %arg8[%swap3A_391], %swap3A_394 {strides = array<i32>} : memref<2560xf32, #tpu.memory_space<vmem>>, vector<16xf32>,
      %swap3A_395 = arith.constant 1552 : index
      %swap3A_396 = tpu.vector_load %arg8[%swap3A_395] {strides = array<i32>} : memref<2560xf32, #tpu.memory_space<vmem>>, vector<16xf32>,
      %swap3A_397 = vector.shape_cast %swap3A_396 : vector<16xf32> to vector<16xf32>
      %swap3A_398 = vector.shape_cast %broadcast_in_dim3A_7 : vector<16xf32> to vector<16xf32>
      tpu.vector_store %arg8[%swap3A_395], %swap3A_398 {strides = array<i32>} : memref<2560xf32, #tpu.memory_space<vmem>>, vector<16xf32>,
      %swap3A_399 = arith.constant 1568 : index
      %swap3A_400 = tpu.vector_load %arg8[%swap3A_399] {strides = array<i32>} : memref<2560xf32, #tpu.memory_space<vmem>>, vector<16xf32>,
      %swap3A_401 = vector.shape_cast %swap3A_400 : vector<16xf32> to vector<16xf32>
      %swap3A_402 = vector.shape_cast %broadcast_in_dim3A_7 : vector<16xf32> to vector<16xf32>
      tpu.vector_store %arg8[%swap3A_399], %swap3A_402 {strides = array<i32>} : memref<2560xf32, #tpu.memory_space<vmem>>, vector<16xf32>,
      %swap3A_403 = arith.constant 1584 : index
      %swap3A_404 = tpu.vector_load %arg8[%swap3A_403] {strides = array<i32>} : memref<2560xf32, #tpu.memory_space<vmem>>, vector<16xf32>,
      %swap3A_405 = vector.shape_cast %swap3A_404 : vector<16xf32> to vector<16xf32>
      %swap3A_406 = vector.shape_cast %broadcast_in_dim3A_7 : vector<16xf32> to vector<16xf32>
      tpu.vector_store %arg8[%swap3A_403], %swap3A_406 {strides = array<i32>} : memref<2560xf32, #tpu.memory_space<vmem>>, vector<16xf32>,
      %swap3A_407 = arith.constant 1600 : index
      %swap3A_408 = tpu.vector_load %arg8[%swap3A_407] {strides = array<i32>} : memref<2560xf32, #tpu.memory_space<vmem>>, vector<16xf32>,
      %swap3A_409 = vector.shape_cast %swap3A_408 : vector<16xf32> to vector<16xf32>
      %swap3A_410 = vector.shape_cast %broadcast_in_dim3A_7 : vector<16xf32> to vector<16xf32>
      tpu.vector_store %arg8[%swap3A_407], %swap3A_410 {strides = array<i32>} : memref<2560xf32, #tpu.memory_space<vmem>>, vector<16xf32>,
      %swap3A_411 = arith.constant 1616 : index
      %swap3A_412 = tpu.vector_load %arg8[%swap3A_411] {strides = array<i32>} : memref<2560xf32, #tpu.memory_space<vmem>>, vector<16xf32>,
      %swap3A_413 = vector.shape_cast %swap3A_412 : vector<16xf32> to vector<16xf32>
      %swap3A_414 = vector.shape_cast %broadcast_in_dim3A_7 : vector<16xf32> to vector<16xf32>
      tpu.vector_store %arg8[%swap3A_411], %swap3A_414 {strides = array<i32>} : memref<2560xf32, #tpu.memory_space<vmem>>, vector<16xf32>,
      %swap3A_415 = arith.constant 1632 : index
      %swap3A_416 = tpu.vector_load %arg8[%swap3A_415] {strides = array<i32>} : memref<2560xf32, #tpu.memory_space<vmem>>, vector<16xf32>,
      %swap3A_417 = vector.shape_cast %swap3A_416 : vector<16xf32> to vector<16xf32>
      %swap3A_418 = vector.shape_cast %broadcast_in_dim3A_7 : vector<16xf32> to vector<16xf32>
      tpu.vector_store %arg8[%swap3A_415], %swap3A_418 {strides = array<i32>} : memref<2560xf32, #tpu.memory_space<vmem>>, vector<16xf32>,
      %swap3A_419 = arith.constant 1648 : index
      %swap3A_420 = tpu.vector_load %arg8[%swap3A_419] {strides = array<i32>} : memref<2560xf32, #tpu.memory_space<vmem>>, vector<16xf32>,
      %swap3A_421 = vector.shape_cast %swap3A_420 : vector<16xf32> to vector<16xf32>
      %swap3A_422 = vector.shape_cast %broadcast_in_dim3A_7 : vector<16xf32> to vector<16xf32>
      tpu.vector_store %arg8[%swap3A_419], %swap3A_422 {strides = array<i32>} : memref<2560xf32, #tpu.memory_space<vmem>>, vector<16xf32>,
      %swap3A_423 = arith.constant 1664 : index
      %swap3A_424 = tpu.vector_load %arg8[%swap3A_423] {strides = array<i32>} : memref<2560xf32, #tpu.memory_space<vmem>>, vector<16xf32>,
      %swap3A_425 = vector.shape_cast %swap3A_424 : vector<16xf32> to vector<16xf32>
      %swap3A_426 = vector.shape_cast %broadcast_in_dim3A_7 : vector<16xf32> to vector<16xf32>
      tpu.vector_store %arg8[%swap3A_423], %swap3A_426 {strides = array<i32>} : memref<2560xf32, #tpu.memory_space<vmem>>, vector<16xf32>,
      %swap3A_427 = arith.constant 1680 : index
      %swap3A_428 = tpu.vector_load %arg8[%swap3A_427] {strides = array<i32>} : memref<2560xf32, #tpu.memory_space<vmem>>, vector<16xf32>,
      %swap3A_429 = vector.shape_cast %swap3A_428 : vector<16xf32> to vector<16xf32>
      %swap3A_430 = vector.shape_cast %broadcast_in_dim3A_7 : vector<16xf32> to vector<16xf32>
      tpu.vector_store %arg8[%swap3A_427], %swap3A_430 {strides = array<i32>} : memref<2560xf32, #tpu.memory_space<vmem>>, vector<16xf32>,
      %swap3A_431 = arith.constant 1696 : index
      %swap3A_432 = tpu.vector_load %arg8[%swap3A_431] {strides = array<i32>} : memref<2560xf32, #tpu.memory_space<vmem>>, vector<16xf32>,
      %swap3A_433 = vector.shape_cast %swap3A_432 : vector<16xf32> to vector<16xf32>
      %swap3A_434 = vector.shape_cast %broadcast_in_dim3A_7 : vector<16xf32> to vector<16xf32>
      tpu.vector_store %arg8[%swap3A_431], %swap3A_434 {strides = array<i32>} : memref<2560xf32, #tpu.memory_space<vmem>>, vector<16xf32>,
      %swap3A_435 = arith.constant 1712 : index
      %swap3A_436 = tpu.vector_load %arg8[%swap3A_435] {strides = array<i32>} : memref<2560xf32, #tpu.memory_space<vmem>>, vector<16xf32>,
      %swap3A_437 = vector.shape_cast %swap3A_436 : vector<16xf32> to vector<16xf32>
      %swap3A_438 = vector.shape_cast %broadcast_in_dim3A_7 : vector<16xf32> to vector<16xf32>
      tpu.vector_store %arg8[%swap3A_435], %swap3A_438 {strides = array<i32>} : memref<2560xf32, #tpu.memory_space<vmem>>, vector<16xf32>,
      %swap3A_439 = arith.constant 1728 : index
      %swap3A_440 = tpu.vector_load %arg8[%swap3A_439] {strides = array<i32>} : memref<2560xf32, #tpu.memory_space<vmem>>, vector<16xf32>,
      %swap3A_441 = vector.shape_cast %swap3A_440 : vector<16xf32> to vector<16xf32>
      %swap3A_442 = vector.shape_cast %broadcast_in_dim3A_7 : vector<16xf32> to vector<16xf32>
      tpu.vector_store %arg8[%swap3A_439], %swap3A_442 {strides = array<i32>} : memref<2560xf32, #tpu.memory_space<vmem>>, vector<16xf32>,
      %swap3A_443 = arith.constant 1744 : index
      %swap3A_444 = tpu.vector_load %arg8[%swap3A_443] {strides = array<i32>} : memref<2560xf32, #tpu.memory_space<vmem>>, vector<16xf32>,
      %swap3A_445 = vector.shape_cast %swap3A_444 : vector<16xf32> to vector<16xf32>
      %swap3A_446 = vector.shape_cast %broadcast_in_dim3A_7 : vector<16xf32> to vector<16xf32>
      tpu.vector_store %arg8[%swap3A_443], %swap3A_446 {strides = array<i32>} : memref<2560xf32, #tpu.memory_space<vmem>>, vector<16xf32>,
      %swap3A_447 = arith.constant 1760 : index
      %swap3A_448 = tpu.vector_load %arg8[%swap3A_447] {strides = array<i32>} : memref<2560xf32, #tpu.memory_space<vmem>>, vector<16xf32>,
      %swap3A_449 = vector.shape_cast %swap3A_448 : vector<16xf32> to vector<16xf32>
      %swap3A_450 = vector.shape_cast %broadcast_in_dim3A_7 : vector<16xf32> to vector<16xf32>
      tpu.vector_store %arg8[%swap3A_447], %swap3A_450 {strides = array<i32>} : memref<2560xf32, #tpu.memory_space<vmem>>, vector<16xf32>,
      %swap3A_451 = arith.constant 1776 : index
      %swap3A_452 = tpu.vector_load %arg8[%swap3A_451] {strides = array<i32>} : memref<2560xf32, #tpu.memory_space<vmem>>, vector<16xf32>,
      %swap3A_453 = vector.shape_cast %swap3A_452 : vector<16xf32> to vector<16xf32>
      %swap3A_454 = vector.shape_cast %broadcast_in_dim3A_7 : vector<16xf32> to vector<16xf32>
      tpu.vector_store %arg8[%swap3A_451], %swap3A_454 {strides = array<i32>} : memref<2560xf32, #tpu.memory_space<vmem>>, vector<16xf32>,
      %swap3A_455 = arith.constant 1792 : index
      %swap3A_456 = tpu.vector_load %arg8[%swap3A_455] {strides = array<i32>} : memref<2560xf32, #tpu.memory_space<vmem>>, vector<16xf32>,
      %swap3A_457 = vector.shape_cast %swap3A_456 : vector<16xf32> to vector<16xf32>
      %swap3A_458 = vector.shape_cast %broadcast_in_dim3A_7 : vector<16xf32> to vector<16xf32>
      tpu.vector_store %arg8[%swap3A_455], %swap3A_458 {strides = array<i32>} : memref<2560xf32, #tpu.memory_space<vmem>>, vector<16xf32>,
      %swap3A_459 = arith.constant 1808 : index
      %swap3A_460 = tpu.vector_load %arg8[%swap3A_459] {strides = array<i32>} : memref<2560xf32, #tpu.memory_space<vmem>>, vector<16xf32>,
      %swap3A_461 = vector.shape_cast %swap3A_460 : vector<16xf32> to vector<16xf32>
      %swap3A_462 = vector.shape_cast %broadcast_in_dim3A_7 : vector<16xf32> to vector<16xf32>
      tpu.vector_store %arg8[%swap3A_459], %swap3A_462 {strides = array<i32>} : memref<2560xf32, #tpu.memory_space<vmem>>, vector<16xf32>,
      %swap3A_463 = arith.constant 1824 : index
      %swap3A_464 = tpu.vector_load %arg8[%swap3A_463] {strides = array<i32>} : memref<2560xf32, #tpu.memory_space<vmem>>, vector<16xf32>,
      %swap3A_465 = vector.shape_cast %swap3A_464 : vector<16xf32> to vector<16xf32>
      %swap3A_466 = vector.shape_cast %broadcast_in_dim3A_7 : vector<16xf32> to vector<16xf32>
      tpu.vector_store %arg8[%swap3A_463], %swap3A_466 {strides = array<i32>} : memref<2560xf32, #tpu.memory_space<vmem>>, vector<16xf32>,
      %swap3A_467 = arith.constant 1840 : index
      %swap3A_468 = tpu.vector_load %arg8[%swap3A_467] {strides = array<i32>} : memref<2560xf32, #tpu.memory_space<vmem>>, vector<16xf32>,
      %swap3A_469 = vector.shape_cast %swap3A_468 : vector<16xf32> to vector<16xf32>
      %swap3A_470 = vector.shape_cast %broadcast_in_dim3A_7 : vector<16xf32> to vector<16xf32>
      tpu.vector_store %arg8[%swap3A_467], %swap3A_470 {strides = array<i32>} : memref<2560xf32, #tpu.memory_space<vmem>>, vector<16xf32>,
      %swap3A_471 = arith.constant 1856 : index
      %swap3A_472 = tpu.vector_load %arg8[%swap3A_471] {strides = array<i32>} : memref<2560xf32, #tpu.memory_space<vmem>>, vector<16xf32>,
      %swap3A_473 = vector.shape_cast %swap3A_472 : vector<16xf32> to vector<16xf32>
      %swap3A_474 = vector.shape_cast %broadcast_in_dim3A_7 : vector<16xf32> to vector<16xf32>
      tpu.vector_store %arg8[%swap3A_471], %swap3A_474 {strides = array<i32>} : memref<2560xf32, #tpu.memory_space<vmem>>, vector<16xf32>,
      %swap3A_475 = arith.constant 1872 : index
      %swap3A_476 = tpu.vector_load %arg8[%swap3A_475] {strides = array<i32>} : memref<2560xf32, #tpu.memory_space<vmem>>, vector<16xf32>,
      %swap3A_477 = vector.shape_cast %swap3A_476 : vector<16xf32> to vector<16xf32>
      %swap3A_478 = vector.shape_cast %broadcast_in_dim3A_7 : vector<16xf32> to vector<16xf32>
      tpu.vector_store %arg8[%swap3A_475], %swap3A_478 {strides = array<i32>} : memref<2560xf32, #tpu.memory_space<vmem>>, vector<16xf32>,
      %swap3A_479 = arith.constant 1888 : index
      %swap3A_480 = tpu.vector_load %arg8[%swap3A_479] {strides = array<i32>} : memref<2560xf32, #tpu.memory_space<vmem>>, vector<16xf32>,
      %swap3A_481 = vector.shape_cast %swap3A_480 : vector<16xf32> to vector<16xf32>
      %swap3A_482 = vector.shape_cast %broadcast_in_dim3A_7 : vector<16xf32> to vector<16xf32>
      tpu.vector_store %arg8[%swap3A_479], %swap3A_482 {strides = array<i32>} : memref<2560xf32, #tpu.memory_space<vmem>>, vector<16xf32>,
      %swap3A_483 = arith.constant 1904 : index
      %swap3A_484 = tpu.vector_load %arg8[%swap3A_483] {strides = array<i32>} : memref<2560xf32, #tpu.memory_space<vmem>>, vector<16xf32>,
      %swap3A_485 = vector.shape_cast %swap3A_484 : vector<16xf32> to vector<16xf32>
      %swap3A_486 = vector.shape_cast %broadcast_in_dim3A_7 : vector<16xf32> to vector<16xf32>
      tpu.vector_store %arg8[%swap3A_483], %swap3A_486 {strides = array<i32>} : memref<2560xf32, #tpu.memory_space<vmem>>, vector<16xf32>,
      %swap3A_487 = arith.constant 1920 : index
      %swap3A_488 = tpu.vector_load %arg8[%swap3A_487] {strides = array<i32>} : memref<2560xf32, #tpu.memory_space<vmem>>, vector<16xf32>,
      %swap3A_489 = vector.shape_cast %swap3A_488 : vector<16xf32> to vector<16xf32>
      %swap3A_490 = vector.shape_cast %broadcast_in_dim3A_7 : vector<16xf32> to vector<16xf32>
      tpu.vector_store %arg8[%swap3A_487], %swap3A_490 {strides = array<i32>} : memref<2560xf32, #tpu.memory_space<vmem>>, vector<16xf32>,
      %swap3A_491 = arith.constant 1936 : index
      %swap3A_492 = tpu.vector_load %arg8[%swap3A_491] {strides = array<i32>} : memref<2560xf32, #tpu.memory_space<vmem>>, vector<16xf32>,
      %swap3A_493 = vector.shape_cast %swap3A_492 : vector<16xf32> to vector<16xf32>
      %swap3A_494 = vector.shape_cast %broadcast_in_dim3A_7 : vector<16xf32> to vector<16xf32>
      tpu.vector_store %arg8[%swap3A_491], %swap3A_494 {strides = array<i32>} : memref<2560xf32, #tpu.memory_space<vmem>>, vector<16xf32>,
      %swap3A_495 = arith.constant 1952 : index
      %swap3A_496 = tpu.vector_load %arg8[%swap3A_495] {strides = array<i32>} : memref<2560xf32, #tpu.memory_space<vmem>>, vector<16xf32>,
      %swap3A_497 = vector.shape_cast %swap3A_496 : vector<16xf32> to vector<16xf32>
      %swap3A_498 = vector.shape_cast %broadcast_in_dim3A_7 : vector<16xf32> to vector<16xf32>
      tpu.vector_store %arg8[%swap3A_495], %swap3A_498 {strides = array<i32>} : memref<2560xf32, #tpu.memory_space<vmem>>, vector<16xf32>,
      %swap3A_499 = arith.constant 1968 : index
      %swap3A_500 = tpu.vector_load %arg8[%swap3A_499] {strides = array<i32>} : memref<2560xf32, #tpu.memory_space<vmem>>, vector<16xf32>,
      %swap3A_501 = vector.shape_cast %swap3A_500 : vector<16xf32> to vector<16xf32>
      %swap3A_502 = vector.shape_cast %broadcast_in_dim3A_7 : vector<16xf32> to vector<16xf32>
      tpu.vector_store %arg8[%swap3A_499], %swap3A_502 {strides = array<i32>} : memref<2560xf32, #tpu.memory_space<vmem>>, vector<16xf32>,
      %swap3A_503 = arith.constant 1984 : index
      %swap3A_504 = tpu.vector_load %arg8[%swap3A_503] {strides = array<i32>} : memref<2560xf32, #tpu.memory_space<vmem>>, vector<16xf32>,
      %swap3A_505 = vector.shape_cast %swap3A_504 : vector<16xf32> to vector<16xf32>
      %swap3A_506 = vector.shape_cast %broadcast_in_dim3A_7 : vector<16xf32> to vector<16xf32>
      tpu.vector_store %arg8[%swap3A_503], %swap3A_506 {strides = array<i32>} : memref<2560xf32, #tpu.memory_space<vmem>>, vector<16xf32>,
      %swap3A_507 = arith.constant 2000 : index
      %swap3A_508 = tpu.vector_load %arg8[%swap3A_507] {strides = array<i32>} : memref<2560xf32, #tpu.memory_space<vmem>>, vector<16xf32>,
      %swap3A_509 = vector.shape_cast %swap3A_508 : vector<16xf32> to vector<16xf32>
      %swap3A_510 = vector.shape_cast %broadcast_in_dim3A_7 : vector<16xf32> to vector<16xf32>
      tpu.vector_store %arg8[%swap3A_507], %swap3A_510 {strides = array<i32>} : memref<2560xf32, #tpu.memory_space<vmem>>, vector<16xf32>,
      %swap3A_511 = arith.constant 2016 : index
      %swap3A_512 = tpu.vector_load %arg8[%swap3A_511] {strides = array<i32>} : memref<2560xf32, #tpu.memory_space<vmem>>, vector<16xf32>,
      %swap3A_513 = vector.shape_cast %swap3A_512 : vector<16xf32> to vector<16xf32>
      %swap3A_514 = vector.shape_cast %broadcast_in_dim3A_7 : vector<16xf32> to vector<16xf32>
      tpu.vector_store %arg8[%swap3A_511], %swap3A_514 {strides = array<i32>} : memref<2560xf32, #tpu.memory_space<vmem>>, vector<16xf32>,
      %swap3A_515 = arith.constant 2032 : index
      %swap3A_516 = tpu.vector_load %arg8[%swap3A_515] {strides = array<i32>} : memref<2560xf32, #tpu.memory_space<vmem>>, vector<16xf32>,
      %swap3A_517 = vector.shape_cast %swap3A_516 : vector<16xf32> to vector<16xf32>
      %swap3A_518 = vector.shape_cast %broadcast_in_dim3A_7 : vector<16xf32> to vector<16xf32>
      tpu.vector_store %arg8[%swap3A_515], %swap3A_518 {strides = array<i32>} : memref<2560xf32, #tpu.memory_space<vmem>>, vector<16xf32>,
      %swap3A_519 = arith.constant 2048 : index
      %swap3A_520 = tpu.vector_load %arg8[%swap3A_519] {strides = array<i32>} : memref<2560xf32, #tpu.memory_space<vmem>>, vector<16xf32>,
      %swap3A_521 = vector.shape_cast %swap3A_520 : vector<16xf32> to vector<16xf32>
      %swap3A_522 = vector.shape_cast %broadcast_in_dim3A_7 : vector<16xf32> to vector<16xf32>
      tpu.vector_store %arg8[%swap3A_519], %swap3A_522 {strides = array<i32>} : memref<2560xf32, #tpu.memory_space<vmem>>, vector<16xf32>,
      %swap3A_523 = arith.constant 2064 : index
      %swap3A_524 = tpu.vector_load %arg8[%swap3A_523] {strides = array<i32>} : memref<2560xf32, #tpu.memory_space<vmem>>, vector<16xf32>,
      %swap3A_525 = vector.shape_cast %swap3A_524 : vector<16xf32> to vector<16xf32>
      %swap3A_526 = vector.shape_cast %broadcast_in_dim3A_7 : vector<16xf32> to vector<16xf32>
      tpu.vector_store %arg8[%swap3A_523], %swap3A_526 {strides = array<i32>} : memref<2560xf32, #tpu.memory_space<vmem>>, vector<16xf32>,
      %swap3A_527 = arith.constant 2080 : index
      %swap3A_528 = tpu.vector_load %arg8[%swap3A_527] {strides = array<i32>} : memref<2560xf32, #tpu.memory_space<vmem>>, vector<16xf32>,
      %swap3A_529 = vector.shape_cast %swap3A_528 : vector<16xf32> to vector<16xf32>
      %swap3A_530 = vector.shape_cast %broadcast_in_dim3A_7 : vector<16xf32> to vector<16xf32>
      tpu.vector_store %arg8[%swap3A_527], %swap3A_530 {strides = array<i32>} : memref<2560xf32, #tpu.memory_space<vmem>>, vector<16xf32>,
      %swap3A_531 = arith.constant 2096 : index
      %swap3A_532 = tpu.vector_load %arg8[%swap3A_531] {strides = array<i32>} : memref<2560xf32, #tpu.memory_space<vmem>>, vector<16xf32>,
      %swap3A_533 = vector.shape_cast %swap3A_532 : vector<16xf32> to vector<16xf32>
      %swap3A_534 = vector.shape_cast %broadcast_in_dim3A_7 : vector<16xf32> to vector<16xf32>
      tpu.vector_store %arg8[%swap3A_531], %swap3A_534 {strides = array<i32>} : memref<2560xf32, #tpu.memory_space<vmem>>, vector<16xf32>,
      %swap3A_535 = arith.constant 2112 : index
      %swap3A_536 = tpu.vector_load %arg8[%swap3A_535] {strides = array<i32>} : memref<2560xf32, #tpu.memory_space<vmem>>, vector<16xf32>,
      %swap3A_537 = vector.shape_cast %swap3A_536 : vector<16xf32> to vector<16xf32>
      %swap3A_538 = vector.shape_cast %broadcast_in_dim3A_7 : vector<16xf32> to vector<16xf32>
      tpu.vector_store %arg8[%swap3A_535], %swap3A_538 {strides = array<i32>} : memref<2560xf32, #tpu.memory_space<vmem>>, vector<16xf32>,
      %swap3A_539 = arith.constant 2128 : index
      %swap3A_540 = tpu.vector_load %arg8[%swap3A_539] {strides = array<i32>} : memref<2560xf32, #tpu.memory_space<vmem>>, vector<16xf32>,
      %swap3A_541 = vector.shape_cast %swap3A_540 : vector<16xf32> to vector<16xf32>
      %swap3A_542 = vector.shape_cast %broadcast_in_dim3A_7 : vector<16xf32> to vector<16xf32>
      tpu.vector_store %arg8[%swap3A_539], %swap3A_542 {strides = array<i32>} : memref<2560xf32, #tpu.memory_space<vmem>>, vector<16xf32>,
      %swap3A_543 = arith.constant 2144 : index
      %swap3A_544 = tpu.vector_load %arg8[%swap3A_543] {strides = array<i32>} : memref<2560xf32, #tpu.memory_space<vmem>>, vector<16xf32>,
      %swap3A_545 = vector.shape_cast %swap3A_544 : vector<16xf32> to vector<16xf32>
      %swap3A_546 = vector.shape_cast %broadcast_in_dim3A_7 : vector<16xf32> to vector<16xf32>
      tpu.vector_store %arg8[%swap3A_543], %swap3A_546 {strides = array<i32>} : memref<2560xf32, #tpu.memory_space<vmem>>, vector<16xf32>,
      %swap3A_547 = arith.constant 2160 : index
      %swap3A_548 = tpu.vector_load %arg8[%swap3A_547] {strides = array<i32>} : memref<2560xf32, #tpu.memory_space<vmem>>, vector<16xf32>,
      %swap3A_549 = vector.shape_cast %swap3A_548 : vector<16xf32> to vector<16xf32>
      %swap3A_550 = vector.shape_cast %broadcast_in_dim3A_7 : vector<16xf32> to vector<16xf32>
      tpu.vector_store %arg8[%swap3A_547], %swap3A_550 {strides = array<i32>} : memref<2560xf32, #tpu.memory_space<vmem>>, vector<16xf32>,
      %swap3A_551 = arith.constant 2176 : index
      %swap3A_552 = tpu.vector_load %arg8[%swap3A_551] {strides = array<i32>} : memref<2560xf32, #tpu.memory_space<vmem>>, vector<16xf32>,
      %swap3A_553 = vector.shape_cast %swap3A_552 : vector<16xf32> to vector<16xf32>
      %swap3A_554 = vector.shape_cast %broadcast_in_dim3A_7 : vector<16xf32> to vector<16xf32>
      tpu.vector_store %arg8[%swap3A_551], %swap3A_554 {strides = array<i32>} : memref<2560xf32, #tpu.memory_space<vmem>>, vector<16xf32>,
      %swap3A_555 = arith.constant 2192 : index
      %swap3A_556 = tpu.vector_load %arg8[%swap3A_555] {strides = array<i32>} : memref<2560xf32, #tpu.memory_space<vmem>>, vector<16xf32>,
      %swap3A_557 = vector.shape_cast %swap3A_556 : vector<16xf32> to vector<16xf32>
      %swap3A_558 = vector.shape_cast %broadcast_in_dim3A_7 : vector<16xf32> to vector<16xf32>
      tpu.vector_store %arg8[%swap3A_555], %swap3A_558 {strides = array<i32>} : memref<2560xf32, #tpu.memory_space<vmem>>, vector<16xf32>,
      %swap3A_559 = arith.constant 2208 : index
      %swap3A_560 = tpu.vector_load %arg8[%swap3A_559] {strides = array<i32>} : memref<2560xf32, #tpu.memory_space<vmem>>, vector<16xf32>,
      %swap3A_561 = vector.shape_cast %swap3A_560 : vector<16xf32> to vector<16xf32>
      %swap3A_562 = vector.shape_cast %broadcast_in_dim3A_7 : vector<16xf32> to vector<16xf32>
      tpu.vector_store %arg8[%swap3A_559], %swap3A_562 {strides = array<i32>} : memref<2560xf32, #tpu.memory_space<vmem>>, vector<16xf32>,
      %swap3A_563 = arith.constant 2224 : index
      %swap3A_564 = tpu.vector_load %arg8[%swap3A_563] {strides = array<i32>} : memref<2560xf32, #tpu.memory_space<vmem>>, vector<16xf32>,
      %swap3A_565 = vector.shape_cast %swap3A_564 : vector<16xf32> to vector<16xf32>
      %swap3A_566 = vector.shape_cast %broadcast_in_dim3A_7 : vector<16xf32> to vector<16xf32>
      tpu.vector_store %arg8[%swap3A_563], %swap3A_566 {strides = array<i32>} : memref<2560xf32, #tpu.memory_space<vmem>>, vector<16xf32>,
      %swap3A_567 = arith.constant 2240 : index
      %swap3A_568 = tpu.vector_load %arg8[%swap3A_567] {strides = array<i32>} : memref<2560xf32, #tpu.memory_space<vmem>>, vector<16xf32>,
      %swap3A_569 = vector.shape_cast %swap3A_568 : vector<16xf32> to vector<16xf32>
      %swap3A_570 = vector.shape_cast %broadcast_in_dim3A_7 : vector<16xf32> to vector<16xf32>
      tpu.vector_store %arg8[%swap3A_567], %swap3A_570 {strides = array<i32>} : memref<2560xf32, #tpu.memory_space<vmem>>, vector<16xf32>,
      %swap3A_571 = arith.constant 2256 : index
      %swap3A_572 = tpu.vector_load %arg8[%swap3A_571] {strides = array<i32>} : memref<2560xf32, #tpu.memory_space<vmem>>, vector<16xf32>,
      %swap3A_573 = vector.shape_cast %swap3A_572 : vector<16xf32> to vector<16xf32>
      %swap3A_574 = vector.shape_cast %broadcast_in_dim3A_7 : vector<16xf32> to vector<16xf32>
      tpu.vector_store %arg8[%swap3A_571], %swap3A_574 {strides = array<i32>} : memref<2560xf32, #tpu.memory_space<vmem>>, vector<16xf32>,
      %swap3A_575 = arith.constant 2272 : index
      %swap3A_576 = tpu.vector_load %arg8[%swap3A_575] {strides = array<i32>} : memref<2560xf32, #tpu.memory_space<vmem>>, vector<16xf32>,
      %swap3A_577 = vector.shape_cast %swap3A_576 : vector<16xf32> to vector<16xf32>
      %swap3A_578 = vector.shape_cast %broadcast_in_dim3A_7 : vector<16xf32> to vector<16xf32>
      tpu.vector_store %arg8[%swap3A_575], %swap3A_578 {strides = array<i32>} : memref<2560xf32, #tpu.memory_space<vmem>>, vector<16xf32>,
      %swap3A_579 = arith.constant 2288 : index
      %swap3A_580 = tpu.vector_load %arg8[%swap3A_579] {strides = array<i32>} : memref<2560xf32, #tpu.memory_space<vmem>>, vector<16xf32>,
      %swap3A_581 = vector.shape_cast %swap3A_580 : vector<16xf32> to vector<16xf32>
      %swap3A_582 = vector.shape_cast %broadcast_in_dim3A_7 : vector<16xf32> to vector<16xf32>
      tpu.vector_store %arg8[%swap3A_579], %swap3A_582 {strides = array<i32>} : memref<2560xf32, #tpu.memory_space<vmem>>, vector<16xf32>,
      %swap3A_583 = arith.constant 2304 : index
      %swap3A_584 = tpu.vector_load %arg8[%swap3A_583] {strides = array<i32>} : memref<2560xf32, #tpu.memory_space<vmem>>, vector<16xf32>,
      %swap3A_585 = vector.shape_cast %swap3A_584 : vector<16xf32> to vector<16xf32>
      %swap3A_586 = vector.shape_cast %broadcast_in_dim3A_7 : vector<16xf32> to vector<16xf32>
      tpu.vector_store %arg8[%swap3A_583], %swap3A_586 {strides = array<i32>} : memref<2560xf32, #tpu.memory_space<vmem>>, vector<16xf32>,
      %swap3A_587 = arith.constant 2320 : index
      %swap3A_588 = tpu.vector_load %arg8[%swap3A_587] {strides = array<i32>} : memref<2560xf32, #tpu.memory_space<vmem>>, vector<16xf32>,
      %swap3A_589 = vector.shape_cast %swap3A_588 : vector<16xf32> to vector<16xf32>
      %swap3A_590 = vector.shape_cast %broadcast_in_dim3A_7 : vector<16xf32> to vector<16xf32>
      tpu.vector_store %arg8[%swap3A_587], %swap3A_590 {strides = array<i32>} : memref<2560xf32, #tpu.memory_space<vmem>>, vector<16xf32>,
      %swap3A_591 = arith.constant 2336 : index
      %swap3A_592 = tpu.vector_load %arg8[%swap3A_591] {strides = array<i32>} : memref<2560xf32, #tpu.memory_space<vmem>>, vector<16xf32>,
      %swap3A_593 = vector.shape_cast %swap3A_592 : vector<16xf32> to vector<16xf32>
      %swap3A_594 = vector.shape_cast %broadcast_in_dim3A_7 : vector<16xf32> to vector<16xf32>
      tpu.vector_store %arg8[%swap3A_591], %swap3A_594 {strides = array<i32>} : memref<2560xf32, #tpu.memory_space<vmem>>, vector<16xf32>,
      %swap3A_595 = arith.constant 2352 : index
      %swap3A_596 = tpu.vector_load %arg8[%swap3A_595] {strides = array<i32>} : memref<2560xf32, #tpu.memory_space<vmem>>, vector<16xf32>,
      %swap3A_597 = vector.shape_cast %swap3A_596 : vector<16xf32> to vector<16xf32>
      %swap3A_598 = vector.shape_cast %broadcast_in_dim3A_7 : vector<16xf32> to vector<16xf32>
      tpu.vector_store %arg8[%swap3A_595], %swap3A_598 {strides = array<i32>} : memref<2560xf32, #tpu.memory_space<vmem>>, vector<16xf32>,
      %swap3A_599 = arith.constant 2368 : index
      %swap3A_600 = tpu.vector_load %arg8[%swap3A_599] {strides = array<i32>} : memref<2560xf32, #tpu.memory_space<vmem>>, vector<16xf32>,
      %swap3A_601 = vector.shape_cast %swap3A_600 : vector<16xf32> to vector<16xf32>
      %swap3A_602 = vector.shape_cast %broadcast_in_dim3A_7 : vector<16xf32> to vector<16xf32>
      tpu.vector_store %arg8[%swap3A_599], %swap3A_602 {strides = array<i32>} : memref<2560xf32, #tpu.memory_space<vmem>>, vector<16xf32>,
      %swap3A_603 = arith.constant 2384 : index
      %swap3A_604 = tpu.vector_load %arg8[%swap3A_603] {strides = array<i32>} : memref<2560xf32, #tpu.memory_space<vmem>>, vector<16xf32>,
      %swap3A_605 = vector.shape_cast %swap3A_604 : vector<16xf32> to vector<16xf32>
      %swap3A_606 = vector.shape_cast %broadcast_in_dim3A_7 : vector<16xf32> to vector<16xf32>
      tpu.vector_store %arg8[%swap3A_603], %swap3A_606 {strides = array<i32>} : memref<2560xf32, #tpu.memory_space<vmem>>, vector<16xf32>,
      %swap3A_607 = arith.constant 2400 : index
      %swap3A_608 = tpu.vector_load %arg8[%swap3A_607] {strides = array<i32>} : memref<2560xf32, #tpu.memory_space<vmem>>, vector<16xf32>,
      %swap3A_609 = vector.shape_cast %swap3A_608 : vector<16xf32> to vector<16xf32>
      %swap3A_610 = vector.shape_cast %broadcast_in_dim3A_7 : vector<16xf32> to vector<16xf32>
      tpu.vector_store %arg8[%swap3A_607], %swap3A_610 {strides = array<i32>} : memref<2560xf32, #tpu.memory_space<vmem>>, vector<16xf32>,
      %swap3A_611 = arith.constant 2416 : index
      %swap3A_612 = tpu.vector_load %arg8[%swap3A_611] {strides = array<i32>} : memref<2560xf32, #tpu.memory_space<vmem>>, vector<16xf32>,
      %swap3A_613 = vector.shape_cast %swap3A_612 : vector<16xf32> to vector<16xf32>
      %swap3A_614 = vector.shape_cast %broadcast_in_dim3A_7 : vector<16xf32> to vector<16xf32>
      tpu.vector_store %arg8[%swap3A_611], %swap3A_614 {strides = array<i32>} : memref<2560xf32, #tpu.memory_space<vmem>>, vector<16xf32>,
      %swap3A_615 = arith.constant 2432 : index
      %swap3A_616 = tpu.vector_load %arg8[%swap3A_615] {strides = array<i32>} : memref<2560xf32, #tpu.memory_space<vmem>>, vector<16xf32>,
      %swap3A_617 = vector.shape_cast %swap3A_616 : vector<16xf32> to vector<16xf32>
      %swap3A_618 = vector.shape_cast %broadcast_in_dim3A_7 : vector<16xf32> to vector<16xf32>
      tpu.vector_store %arg8[%swap3A_615], %swap3A_618 {strides = array<i32>} : memref<2560xf32, #tpu.memory_space<vmem>>, vector<16xf32>,
      %swap3A_619 = arith.constant 2448 : index
      %swap3A_620 = tpu.vector_load %arg8[%swap3A_619] {strides = array<i32>} : memref<2560xf32, #tpu.memory_space<vmem>>, vector<16xf32>,
      %swap3A_621 = vector.shape_cast %swap3A_620 : vector<16xf32> to vector<16xf32>
      %swap3A_622 = vector.shape_cast %broadcast_in_dim3A_7 : vector<16xf32> to vector<16xf32>
      tpu.vector_store %arg8[%swap3A_619], %swap3A_622 {strides = array<i32>} : memref<2560xf32, #tpu.memory_space<vmem>>, vector<16xf32>,
      %swap3A_623 = arith.constant 2464 : index
      %swap3A_624 = tpu.vector_load %arg8[%swap3A_623] {strides = array<i32>} : memref<2560xf32, #tpu.memory_space<vmem>>, vector<16xf32>,
      %swap3A_625 = vector.shape_cast %swap3A_624 : vector<16xf32> to vector<16xf32>
      %swap3A_626 = vector.shape_cast %broadcast_in_dim3A_7 : vector<16xf32> to vector<16xf32>
      tpu.vector_store %arg8[%swap3A_623], %swap3A_626 {strides = array<i32>} : memref<2560xf32, #tpu.memory_space<vmem>>, vector<16xf32>,
      %swap3A_627 = arith.constant 2480 : index
      %swap3A_628 = tpu.vector_load %arg8[%swap3A_627] {strides = array<i32>} : memref<2560xf32, #tpu.memory_space<vmem>>, vector<16xf32>,
      %swap3A_629 = vector.shape_cast %swap3A_628 : vector<16xf32> to vector<16xf32>
      %swap3A_630 = vector.shape_cast %broadcast_in_dim3A_7 : vector<16xf32> to vector<16xf32>
      tpu.vector_store %arg8[%swap3A_627], %swap3A_630 {strides = array<i32>} : memref<2560xf32, #tpu.memory_space<vmem>>, vector<16xf32>,
      %swap3A_631 = arith.constant 2496 : index
      %swap3A_632 = tpu.vector_load %arg8[%swap3A_631] {strides = array<i32>} : memref<2560xf32, #tpu.memory_space<vmem>>, vector<16xf32>,
      %swap3A_633 = vector.shape_cast %swap3A_632 : vector<16xf32> to vector<16xf32>
      %swap3A_634 = vector.shape_cast %broadcast_in_dim3A_7 : vector<16xf32> to vector<16xf32>
      tpu.vector_store %arg8[%swap3A_631], %swap3A_634 {strides = array<i32>} : memref<2560xf32, #tpu.memory_space<vmem>>, vector<16xf32>,
      %swap3A_635 = arith.constant 2512 : index
      %swap3A_636 = tpu.vector_load %arg8[%swap3A_635] {strides = array<i32>} : memref<2560xf32, #tpu.memory_space<vmem>>, vector<16xf32>,
      %swap3A_637 = vector.shape_cast %swap3A_636 : vector<16xf32> to vector<16xf32>
      %swap3A_638 = vector.shape_cast %broadcast_in_dim3A_7 : vector<16xf32> to vector<16xf32>
      tpu.vector_store %arg8[%swap3A_635], %swap3A_638 {strides = array<i32>} : memref<2560xf32, #tpu.memory_space<vmem>>, vector<16xf32>,
      %swap3A_639 = arith.constant 2528 : index
      %swap3A_640 = tpu.vector_load %arg8[%swap3A_639] {strides = array<i32>} : memref<2560xf32, #tpu.memory_space<vmem>>, vector<16xf32>,
      %swap3A_641 = vector.shape_cast %swap3A_640 : vector<16xf32> to vector<16xf32>
      %swap3A_642 = vector.shape_cast %broadcast_in_dim3A_7 : vector<16xf32> to vector<16xf32>
      tpu.vector_store %arg8[%swap3A_639], %swap3A_642 {strides = array<i32>} : memref<2560xf32, #tpu.memory_space<vmem>>, vector<16xf32>,
      %swap3A_643 = arith.constant 2544 : index
      %swap3A_644 = tpu.vector_load %arg8[%swap3A_643] {strides = array<i32>} : memref<2560xf32, #tpu.memory_space<vmem>>, vector<16xf32>,
      %swap3A_645 = vector.shape_cast %swap3A_644 : vector<16xf32> to vector<16xf32>
      %swap3A_646 = vector.shape_cast %broadcast_in_dim3A_7 : vector<16xf32> to vector<16xf32>
      tpu.vector_store %arg8[%swap3A_643], %swap3A_646 {strides = array<i32>} : memref<2560xf32, #tpu.memory_space<vmem>>, vector<16xf32>,
      tpu.enqueue_dma source(%arg8 : memref<2560xf32, #tpu.memory_space<vmem>>) target(%arg9 : memref<2560xf32, #tpu.memory_space<vmem_shared>>) target_semaphore(%arg12 : memref<!tpu.dma_semaphore, #tpu.memory_space<semaphore_mem>>)
      %broadcast_in_dim3A_647 = arith.constant 2432 : i32
      %broadcast_in_dim3A_648 = vector.broadcast %broadcast_in_dim3A_647 : i32 to vector<16xi32>
      %swap3A_649 = arith.constant 2 : i32
      %swap3A_650 = arith.index_cast %swap3A_649 : i32 to index
      %swap3A_651 = arith.constant 86 : index
      %swap3A_652 = tpu.vector_load %arg6[%swap3A_650, %swap3A_651] {strides = array<i32>} : memref<3x128xi32, #tpu.memory_space<vmem>>, vector<1x16xi32>,
      %swap3A_653 = vector.shape_cast %swap3A_652 : vector<1x16xi32> to vector<16xi32>
      %swap3A_654 = vector.shape_cast %broadcast_in_dim3A_648 : vector<16xi32> to vector<1x16xi32>
      tpu.vector_store %arg6[%swap3A_650, %swap3A_651], %swap3A_654 {strides = array<i32>} : memref<3x128xi32, #tpu.memory_space<vmem>>, vector<1x16xi32>,
      %swap3A_655 = arith.constant 2 : i32
      %swap3A_656 = arith.index_cast %swap3A_655 : i32 to index
      %swap3A_657 = arith.constant 102 : index
      %swap3A_658 = tpu.vector_load %arg6[%swap3A_656, %swap3A_657] {strides = array<i32>} : memref<3x128xi32, #tpu.memory_space<vmem>>, vector<1x16xi32>,
      %swap3A_659 = vector.shape_cast %swap3A_658 : vector<1x16xi32> to vector<16xi32>
      %swap3A_660 = vector.shape_cast %broadcast_in_dim3A_648 : vector<16xi32> to vector<1x16xi32>
      tpu.vector_store %arg6[%swap3A_656, %swap3A_657], %swap3A_660 {strides = array<i32>} : memref<3x128xi32, #tpu.memory_space<vmem>>, vector<1x16xi32>,
      %swap3A_661 = arith.constant 2 : i32
      %swap3A_662 = arith.index_cast %swap3A_661 : i32 to index
      %swap3A_663 = arith.constant 112 : index
      %swap3A_664 = tpu.vector_load %arg6[%swap3A_662, %swap3A_663] {strides = array<i32>} : memref<3x128xi32, #tpu.memory_space<vmem>>, vector<1x16xi32>,
      %swap3A_665 = vector.shape_cast %swap3A_664 : vector<1x16xi32> to vector<16xi32>
      %swap3A_666 = vector.shape_cast %broadcast_in_dim3A_648 : vector<16xi32> to vector<1x16xi32>
      tpu.vector_store %arg6[%swap3A_662, %swap3A_663], %swap3A_666 {strides = array<i32>} : memref<3x128xi32, #tpu.memory_space<vmem>>, vector<1x16xi32>,
      tpu.wait_dma2 semaphore(%arg10 : memref<!tpu.dma_semaphore, #tpu.memory_space<semaphore_mem>>) src(%arg2 : memref<2x342xi32, #tpu.memory_space<hbm>>) dst(%arg5 : memref<2x342xi32, #tpu.memory_space<vmem>>)
      %get3A = arith.constant 1 : i32
      %get3A_667 = arith.index_cast %get3A : i32 to index
      %get3A_668 = arith.constant 0 : index
      %get3A_669 = tpu.vector_load %arg5[%get3A_667, %get3A_668] {strides = array<i32>} : memref<2x342xi32, #tpu.memory_space<vmem>>, vector<1x16xi32>,
      %get3A_670 = vector.shape_cast %get3A_669 : vector<1x16xi32> to vector<16xi32>
      %get3A_671 = arith.constant 0 : i32
      %get3A_672 = arith.index_cast %get3A_671 : i32 to index
      %get3A_673 = arith.constant 0 : index
      %get3A_674 = tpu.vector_load %arg5[%get3A_672, %get3A_673] {strides = array<i32>} : memref<2x342xi32, #tpu.memory_space<vmem>>, vector<1x16xi32>,
      %get3A_675 = vector.shape_cast %get3A_674 : vector<1x16xi32> to vector<16xi32>
      %mul3A = arith.constant 128 : i32
      %mul3A_676 = vector.broadcast %mul3A : i32 to vector<16xi32>
      %mul3A_677 = arith.muli %get3A_670, %mul3A_676 : vector<16xi32>
      %add3A = arith.addi %mul3A_677, %get3A_675 : vector<16xi32>
      %swap3A_678 = arith.constant 0 : i32
      %swap3A_679 = arith.index_cast %swap3A_678 : i32 to index
      %swap3A_680 = arith.constant 0 : index
      %swap3A_681 = tpu.vector_load %arg6[%swap3A_679, %swap3A_680] {strides = array<i32>} : memref<3x128xi32, #tpu.memory_space<vmem>>, vector<1x16xi32>,
      %swap3A_682 = vector.shape_cast %swap3A_681 : vector<1x16xi32> to vector<16xi32>
      %swap3A_683 = vector.shape_cast %add3A : vector<16xi32> to vector<1x16xi32>
      tpu.vector_store %arg6[%swap3A_679, %swap3A_680], %swap3A_683 {strides = array<i32>} : memref<3x128xi32, #tpu.memory_space<vmem>>, vector<1x16xi32>,
      %get3A_684 = arith.constant 1 : i32
      %get3A_685 = arith.index_cast %get3A_684 : i32 to index
      %get3A_686 = arith.constant 16 : index
      %get3A_687 = tpu.vector_load %arg5[%get3A_685, %get3A_686] {strides = array<i32>} : memref<2x342xi32, #tpu.memory_space<vmem>>, vector<1x16xi32>,
      %get3A_688 = vector.shape_cast %get3A_687 : vector<1x16xi32> to vector<16xi32>
      %get3A_689 = arith.constant 0 : i32
      %get3A_690 = arith.index_cast %get3A_689 : i32 to index
      %get3A_691 = arith.constant 16 : index
      %get3A_692 = tpu.vector_load %arg5[%get3A_690, %get3A_691] {strides = array<i32>} : memref<2x342xi32, #tpu.memory_space<vmem>>, vector<1x16xi32>,
      %get3A_693 = vector.shape_cast %get3A_692 : vector<1x16xi32> to vector<16xi32>
      %mul3A_694 = arith.constant 128 : i32
      %mul3A_695 = vector.broadcast %mul3A_694 : i32 to vector<16xi32>
      %mul3A_696 = arith.muli %get3A_688, %mul3A_695 : vector<16xi32>
      %add3A_697 = arith.addi %mul3A_696, %get3A_693 : vector<16xi32>
      %swap3A_698 = arith.constant 0 : i32
      %swap3A_699 = arith.index_cast %swap3A_698 : i32 to index
      %swap3A_700 = arith.constant 16 : index
      %swap3A_701 = tpu.vector_load %arg6[%swap3A_699, %swap3A_700] {strides = array<i32>} : memref<3x128xi32, #tpu.memory_space<vmem>>, vector<1x16xi32>,
      %swap3A_702 = vector.shape_cast %swap3A_701 : vector<1x16xi32> to vector<16xi32>
      %swap3A_703 = vector.shape_cast %add3A_697 : vector<16xi32> to vector<1x16xi32>
      tpu.vector_store %arg6[%swap3A_699, %swap3A_700], %swap3A_703 {strides = array<i32>} : memref<3x128xi32, #tpu.memory_space<vmem>>, vector<1x16xi32>,
      %get3A_704 = arith.constant 1 : i32
      %get3A_705 = arith.index_cast %get3A_704 : i32 to index
      %get3A_706 = arith.constant 32 : index
      %get3A_707 = tpu.vector_load %arg5[%get3A_705, %get3A_706] {strides = array<i32>} : memref<2x342xi32, #tpu.memory_space<vmem>>, vector<1x16xi32>,
      %get3A_708 = vector.shape_cast %get3A_707 : vector<1x16xi32> to vector<16xi32>
      %get3A_709 = arith.constant 0 : i32
      %get3A_710 = arith.index_cast %get3A_709 : i32 to index
      %get3A_711 = arith.constant 32 : index
      %get3A_712 = tpu.vector_load %arg5[%get3A_710, %get3A_711] {strides = array<i32>} : memref<2x342xi32, #tpu.memory_space<vmem>>, vector<1x16xi32>,
      %get3A_713 = vector.shape_cast %get3A_712 : vector<1x16xi32> to vector<16xi32>
      %mul3A_714 = arith.constant 128 : i32
      %mul3A_715 = vector.broadcast %mul3A_714 : i32 to vector<16xi32>
      %mul3A_716 = arith.muli %get3A_708, %mul3A_715 : vector<16xi32>
      %add3A_717 = arith.addi %mul3A_716, %get3A_713 : vector<16xi32>
      %swap3A_718 = arith.constant 0 : i32
      %swap3A_719 = arith.index_cast %swap3A_718 : i32 to index
      %swap3A_720 = arith.constant 32 : index
      %swap3A_721 = tpu.vector_load %arg6[%swap3A_719, %swap3A_720] {strides = array<i32>} : memref<3x128xi32, #tpu.memory_space<vmem>>, vector<1x16xi32>,
      %swap3A_722 = vector.shape_cast %swap3A_721 : vector<1x16xi32> to vector<16xi32>
      %swap3A_723 = vector.shape_cast %add3A_717 : vector<16xi32> to vector<1x16xi32>
      tpu.vector_store %arg6[%swap3A_719, %swap3A_720], %swap3A_723 {strides = array<i32>} : memref<3x128xi32, #tpu.memory_space<vmem>>, vector<1x16xi32>,
      %get3A_724 = arith.constant 1 : i32
      %get3A_725 = arith.index_cast %get3A_724 : i32 to index
      %get3A_726 = arith.constant 48 : index
      %get3A_727 = tpu.vector_load %arg5[%get3A_725, %get3A_726] {strides = array<i32>} : memref<2x342xi32, #tpu.memory_space<vmem>>, vector<1x16xi32>,
      %get3A_728 = vector.shape_cast %get3A_727 : vector<1x16xi32> to vector<16xi32>
      %get3A_729 = arith.constant 0 : i32
      %get3A_730 = arith.index_cast %get3A_729 : i32 to index
      %get3A_731 = arith.constant 48 : index
      %get3A_732 = tpu.vector_load %arg5[%get3A_730, %get3A_731] {strides = array<i32>} : memref<2x342xi32, #tpu.memory_space<vmem>>, vector<1x16xi32>,
      %get3A_733 = vector.shape_cast %get3A_732 : vector<1x16xi32> to vector<16xi32>
      %mul3A_734 = arith.constant 128 : i32
      %mul3A_735 = vector.broadcast %mul3A_734 : i32 to vector<16xi32>
      %mul3A_736 = arith.muli %get3A_728, %mul3A_735 : vector<16xi32>
      %add3A_737 = arith.addi %mul3A_736, %get3A_733 : vector<16xi32>
      %swap3A_738 = arith.constant 0 : i32
      %swap3A_739 = arith.index_cast %swap3A_738 : i32 to index
      %swap3A_740 = arith.constant 48 : index
      %swap3A_741 = tpu.vector_load %arg6[%swap3A_739, %swap3A_740] {strides = array<i32>} : memref<3x128xi32, #tpu.memory_space<vmem>>, vector<1x16xi32>,
      %swap3A_742 = vector.shape_cast %swap3A_741 : vector<1x16xi32> to vector<16xi32>
      %swap3A_743 = vector.shape_cast %add3A_737 : vector<16xi32> to vector<1x16xi32>
      tpu.vector_store %arg6[%swap3A_739, %swap3A_740], %swap3A_743 {strides = array<i32>} : memref<3x128xi32, #tpu.memory_space<vmem>>, vector<1x16xi32>,
      %get3A_744 = arith.constant 1 : i32
      %get3A_745 = arith.index_cast %get3A_744 : i32 to index
      %get3A_746 = arith.constant 64 : index
      %get3A_747 = tpu.vector_load %arg5[%get3A_745, %get3A_746] {strides = array<i32>} : memref<2x342xi32, #tpu.memory_space<vmem>>, vector<1x16xi32>,
      %get3A_748 = vector.shape_cast %get3A_747 : vector<1x16xi32> to vector<16xi32>
      %get3A_749 = arith.constant 0 : i32
      %get3A_750 = arith.index_cast %get3A_749 : i32 to index
      %get3A_751 = arith.constant 64 : index
      %get3A_752 = tpu.vector_load %arg5[%get3A_750, %get3A_751] {strides = array<i32>} : memref<2x342xi32, #tpu.memory_space<vmem>>, vector<1x16xi32>,
      %get3A_753 = vector.shape_cast %get3A_752 : vector<1x16xi32> to vector<16xi32>
      %mul3A_754 = arith.constant 128 : i32
      %mul3A_755 = vector.broadcast %mul3A_754 : i32 to vector<16xi32>
      %mul3A_756 = arith.muli %get3A_748, %mul3A_755 : vector<16xi32>
      %add3A_757 = arith.addi %mul3A_756, %get3A_753 : vector<16xi32>
      %swap3A_758 = arith.constant 0 : i32
      %swap3A_759 = arith.index_cast %swap3A_758 : i32 to index
      %swap3A_760 = arith.constant 64 : index
      %swap3A_761 = tpu.vector_load %arg6[%swap3A_759, %swap3A_760] {strides = array<i32>} : memref<3x128xi32, #tpu.memory_space<vmem>>, vector<1x16xi32>,
      %swap3A_762 = vector.shape_cast %swap3A_761 : vector<1x16xi32> to vector<16xi32>
      %swap3A_763 = vector.shape_cast %add3A_757 : vector<16xi32> to vector<1x16xi32>
      tpu.vector_store %arg6[%swap3A_759, %swap3A_760], %swap3A_763 {strides = array<i32>} : memref<3x128xi32, #tpu.memory_space<vmem>>, vector<1x16xi32>,
      %get3A_764 = arith.constant 1 : i32
      %get3A_765 = arith.index_cast %get3A_764 : i32 to index
      %get3A_766 = arith.constant 80 : index
      %get3A_767 = tpu.vector_load %arg5[%get3A_765, %get3A_766] {strides = array<i32>} : memref<2x342xi32, #tpu.memory_space<vmem>>, vector<1x16xi32>,
      %get3A_768 = vector.shape_cast %get3A_767 : vector<1x16xi32> to vector<16xi32>
      %get3A_769 = arith.constant 0 : i32
      %get3A_770 = arith.index_cast %get3A_769 : i32 to index
      %get3A_771 = arith.constant 80 : index
      %get3A_772 = tpu.vector_load %arg5[%get3A_770, %get3A_771] {strides = array<i32>} : memref<2x342xi32, #tpu.memory_space<vmem>>, vector<1x16xi32>,
      %get3A_773 = vector.shape_cast %get3A_772 : vector<1x16xi32> to vector<16xi32>
      %mul3A_774 = arith.constant 128 : i32
      %mul3A_775 = vector.broadcast %mul3A_774 : i32 to vector<16xi32>
      %mul3A_776 = arith.muli %get3A_768, %mul3A_775 : vector<16xi32>
      %add3A_777 = arith.addi %mul3A_776, %get3A_773 : vector<16xi32>
      %swap3A_778 = arith.constant 0 : i32
      %swap3A_779 = arith.index_cast %swap3A_778 : i32 to index
      %swap3A_780 = arith.constant 80 : index
      %swap3A_781 = tpu.vector_load %arg6[%swap3A_779, %swap3A_780] {strides = array<i32>} : memref<3x128xi32, #tpu.memory_space<vmem>>, vector<1x16xi32>,
      %swap3A_782 = vector.shape_cast %swap3A_781 : vector<1x16xi32> to vector<16xi32>
      %swap3A_783 = vector.shape_cast %add3A_777 : vector<16xi32> to vector<1x16xi32>
      tpu.vector_store %arg6[%swap3A_779, %swap3A_780], %swap3A_783 {strides = array<i32>} : memref<3x128xi32, #tpu.memory_space<vmem>>, vector<1x16xi32>,
      %get3A_784 = arith.constant 1 : i32
      %get3A_785 = arith.index_cast %get3A_784 : i32 to index
      %get3A_786 = arith.constant 96 : index
      %get3A_787 = tpu.vector_load %arg5[%get3A_785, %get3A_786] {strides = array<i32>} : memref<2x342xi32, #tpu.memory_space<vmem>>, vector<1x16xi32>,
      %get3A_788 = vector.shape_cast %get3A_787 : vector<1x16xi32> to vector<16xi32>
      %get3A_789 = arith.constant 0 : i32
      %get3A_790 = arith.index_cast %get3A_789 : i32 to index
      %get3A_791 = arith.constant 96 : index
      %get3A_792 = tpu.vector_load %arg5[%get3A_790, %get3A_791] {strides = array<i32>} : memref<2x342xi32, #tpu.memory_space<vmem>>, vector<1x16xi32>,
      %get3A_793 = vector.shape_cast %get3A_792 : vector<1x16xi32> to vector<16xi32>
      %mul3A_794 = arith.constant 128 : i32
      %mul3A_795 = vector.broadcast %mul3A_794 : i32 to vector<16xi32>
      %mul3A_796 = arith.muli %get3A_788, %mul3A_795 : vector<16xi32>
      %add3A_797 = arith.addi %mul3A_796, %get3A_793 : vector<16xi32>
      %swap3A_798 = arith.constant 0 : i32
      %swap3A_799 = arith.index_cast %swap3A_798 : i32 to index
      %swap3A_800 = arith.constant 96 : index
      %swap3A_801 = tpu.vector_load %arg6[%swap3A_799, %swap3A_800] {strides = array<i32>} : memref<3x128xi32, #tpu.memory_space<vmem>>, vector<1x16xi32>,
      %swap3A_802 = vector.shape_cast %swap3A_801 : vector<1x16xi32> to vector<16xi32>
      %swap3A_803 = vector.shape_cast %add3A_797 : vector<16xi32> to vector<1x16xi32>
      tpu.vector_store %arg6[%swap3A_799, %swap3A_800], %swap3A_803 {strides = array<i32>} : memref<3x128xi32, #tpu.memory_space<vmem>>, vector<1x16xi32>,
      %get3A_804 = arith.constant 1 : i32
      %get3A_805 = arith.index_cast %get3A_804 : i32 to index
      %get3A_806 = arith.constant 112 : index
      %get3A_807 = tpu.vector_load %arg5[%get3A_805, %get3A_806] {strides = array<i32>} : memref<2x342xi32, #tpu.memory_space<vmem>>, vector<1x16xi32>,
      %get3A_808 = vector.shape_cast %get3A_807 : vector<1x16xi32> to vector<16xi32>
      %get3A_809 = arith.constant 0 : i32
      %get3A_810 = arith.index_cast %get3A_809 : i32 to index
      %get3A_811 = arith.constant 112 : index
      %get3A_812 = tpu.vector_load %arg5[%get3A_810, %get3A_811] {strides = array<i32>} : memref<2x342xi32, #tpu.memory_space<vmem>>, vector<1x16xi32>,
      %get3A_813 = vector.shape_cast %get3A_812 : vector<1x16xi32> to vector<16xi32>
      %mul3A_814 = arith.constant 128 : i32
      %mul3A_815 = vector.broadcast %mul3A_814 : i32 to vector<16xi32>
      %mul3A_816 = arith.muli %get3A_808, %mul3A_815 : vector<16xi32>
      %add3A_817 = arith.addi %mul3A_816, %get3A_813 : vector<16xi32>
      %swap3A_818 = arith.constant 0 : i32
      %swap3A_819 = arith.index_cast %swap3A_818 : i32 to index
      %swap3A_820 = arith.constant 112 : index
      %swap3A_821 = tpu.vector_load %arg6[%swap3A_819, %swap3A_820] {strides = array<i32>} : memref<3x128xi32, #tpu.memory_space<vmem>>, vector<1x16xi32>,
      %swap3A_822 = vector.shape_cast %swap3A_821 : vector<1x16xi32> to vector<16xi32>
      %swap3A_823 = vector.shape_cast %add3A_817 : vector<16xi32> to vector<1x16xi32>
      tpu.vector_store %arg6[%swap3A_819, %swap3A_820], %swap3A_823 {strides = array<i32>} : memref<3x128xi32, #tpu.memory_space<vmem>>, vector<1x16xi32>,
      %get3A_824 = arith.constant 1 : i32
      %get3A_825 = arith.index_cast %get3A_824 : i32 to index
      %get3A_826 = arith.constant 128 : index
      %get3A_827 = tpu.vector_load %arg5[%get3A_825, %get3A_826] {strides = array<i32>} : memref<2x342xi32, #tpu.memory_space<vmem>>, vector<1x16xi32>,
      %get3A_828 = vector.shape_cast %get3A_827 : vector<1x16xi32> to vector<16xi32>
      %get3A_829 = arith.constant 0 : i32
      %get3A_830 = arith.index_cast %get3A_829 : i32 to index
      %get3A_831 = arith.constant 128 : index
      %get3A_832 = tpu.vector_load %arg5[%get3A_830, %get3A_831] {strides = array<i32>} : memref<2x342xi32, #tpu.memory_space<vmem>>, vector<1x16xi32>,
      %get3A_833 = vector.shape_cast %get3A_832 : vector<1x16xi32> to vector<16xi32>
      %mul3A_834 = arith.constant 128 : i32
      %mul3A_835 = vector.broadcast %mul3A_834 : i32 to vector<16xi32>
      %mul3A_836 = arith.muli %get3A_828, %mul3A_835 : vector<16xi32>
      %add3A_837 = arith.addi %mul3A_836, %get3A_833 : vector<16xi32>
      %swap3A_838 = arith.constant 1 : i32
      %swap3A_839 = arith.index_cast %swap3A_838 : i32 to index
      %swap3A_840 = arith.constant 0 : index
      %swap3A_841 = tpu.vector_load %arg6[%swap3A_839, %swap3A_840] {strides = array<i32>} : memref<3x128xi32, #tpu.memory_space<vmem>>, vector<1x16xi32>,
      %swap3A_842 = vector.shape_cast %swap3A_841 : vector<1x16xi32> to vector<16xi32>
      %swap3A_843 = vector.shape_cast %add3A_837 : vector<16xi32> to vector<1x16xi32>
      tpu.vector_store %arg6[%swap3A_839, %swap3A_840], %swap3A_843 {strides = array<i32>} : memref<3x128xi32, #tpu.memory_space<vmem>>, vector<1x16xi32>,
      %get3A_844 = arith.constant 1 : i32
      %get3A_845 = arith.index_cast %get3A_844 : i32 to index
      %get3A_846 = arith.constant 144 : index
      %get3A_847 = tpu.vector_load %arg5[%get3A_845, %get3A_846] {strides = array<i32>} : memref<2x342xi32, #tpu.memory_space<vmem>>, vector<1x16xi32>,
      %get3A_848 = vector.shape_cast %get3A_847 : vector<1x16xi32> to vector<16xi32>
      %get3A_849 = arith.constant 0 : i32
      %get3A_850 = arith.index_cast %get3A_849 : i32 to index
      %get3A_851 = arith.constant 144 : index
      %get3A_852 = tpu.vector_load %arg5[%get3A_850, %get3A_851] {strides = array<i32>} : memref<2x342xi32, #tpu.memory_space<vmem>>, vector<1x16xi32>,
      %get3A_853 = vector.shape_cast %get3A_852 : vector<1x16xi32> to vector<16xi32>
      %mul3A_854 = arith.constant 128 : i32
      %mul3A_855 = vector.broadcast %mul3A_854 : i32 to vector<16xi32>
      %mul3A_856 = arith.muli %get3A_848, %mul3A_855 : vector<16xi32>
      %add3A_857 = arith.addi %mul3A_856, %get3A_853 : vector<16xi32>
      %swap3A_858 = arith.constant 1 : i32
      %swap3A_859 = arith.index_cast %swap3A_858 : i32 to index
      %swap3A_860 = arith.constant 16 : index
      %swap3A_861 = tpu.vector_load %arg6[%swap3A_859, %swap3A_860] {strides = array<i32>} : memref<3x128xi32, #tpu.memory_space<vmem>>, vector<1x16xi32>,
      %swap3A_862 = vector.shape_cast %swap3A_861 : vector<1x16xi32> to vector<16xi32>
      %swap3A_863 = vector.shape_cast %add3A_857 : vector<16xi32> to vector<1x16xi32>
      tpu.vector_store %arg6[%swap3A_859, %swap3A_860], %swap3A_863 {strides = array<i32>} : memref<3x128xi32, #tpu.memory_space<vmem>>, vector<1x16xi32>,
      %get3A_864 = arith.constant 1 : i32
      %get3A_865 = arith.index_cast %get3A_864 : i32 to index
      %get3A_866 = arith.constant 160 : index
      %get3A_867 = tpu.vector_load %arg5[%get3A_865, %get3A_866] {strides = array<i32>} : memref<2x342xi32, #tpu.memory_space<vmem>>, vector<1x16xi32>,
      %get3A_868 = vector.shape_cast %get3A_867 : vector<1x16xi32> to vector<16xi32>
      %get3A_869 = arith.constant 0 : i32
      %get3A_870 = arith.index_cast %get3A_869 : i32 to index
      %get3A_871 = arith.constant 160 : index
      %get3A_872 = tpu.vector_load %arg5[%get3A_870, %get3A_871] {strides = array<i32>} : memref<2x342xi32, #tpu.memory_space<vmem>>, vector<1x16xi32>,
      %get3A_873 = vector.shape_cast %get3A_872 : vector<1x16xi32> to vector<16xi32>
      %mul3A_874 = arith.constant 128 : i32
      %mul3A_875 = vector.broadcast %mul3A_874 : i32 to vector<16xi32>
      %mul3A_876 = arith.muli %get3A_868, %mul3A_875 : vector<16xi32>
      %add3A_877 = arith.addi %mul3A_876, %get3A_873 : vector<16xi32>
      %swap3A_878 = arith.constant 1 : i32
      %swap3A_879 = arith.index_cast %swap3A_878 : i32 to index
      %swap3A_880 = arith.constant 32 : index
      %swap3A_881 = tpu.vector_load %arg6[%swap3A_879, %swap3A_880] {strides = array<i32>} : memref<3x128xi32, #tpu.memory_space<vmem>>, vector<1x16xi32>,
      %swap3A_882 = vector.shape_cast %swap3A_881 : vector<1x16xi32> to vector<16xi32>
      %swap3A_883 = vector.shape_cast %add3A_877 : vector<16xi32> to vector<1x16xi32>
      tpu.vector_store %arg6[%swap3A_879, %swap3A_880], %swap3A_883 {strides = array<i32>} : memref<3x128xi32, #tpu.memory_space<vmem>>, vector<1x16xi32>,
      %get3A_884 = arith.constant 1 : i32
      %get3A_885 = arith.index_cast %get3A_884 : i32 to index
      %get3A_886 = arith.constant 176 : index
      %get3A_887 = tpu.vector_load %arg5[%get3A_885, %get3A_886] {strides = array<i32>} : memref<2x342xi32, #tpu.memory_space<vmem>>, vector<1x16xi32>,
      %get3A_888 = vector.shape_cast %get3A_887 : vector<1x16xi32> to vector<16xi32>
      %get3A_889 = arith.constant 0 : i32
      %get3A_890 = arith.index_cast %get3A_889 : i32 to index
      %get3A_891 = arith.constant 176 : index
      %get3A_892 = tpu.vector_load %arg5[%get3A_890, %get3A_891] {strides = array<i32>} : memref<2x342xi32, #tpu.memory_space<vmem>>, vector<1x16xi32>,
      %get3A_893 = vector.shape_cast %get3A_892 : vector<1x16xi32> to vector<16xi32>
      %mul3A_894 = arith.constant 128 : i32
      %mul3A_895 = vector.broadcast %mul3A_894 : i32 to vector<16xi32>
      %mul3A_896 = arith.muli %get3A_888, %mul3A_895 : vector<16xi32>
      %add3A_897 = arith.addi %mul3A_896, %get3A_893 : vector<16xi32>
      %swap3A_898 = arith.constant 1 : i32
      %swap3A_899 = arith.index_cast %swap3A_898 : i32 to index
      %swap3A_900 = arith.constant 48 : index
      %swap3A_901 = tpu.vector_load %arg6[%swap3A_899, %swap3A_900] {strides = array<i32>} : memref<3x128xi32, #tpu.memory_space<vmem>>, vector<1x16xi32>,
      %swap3A_902 = vector.shape_cast %swap3A_901 : vector<1x16xi32> to vector<16xi32>
      %swap3A_903 = vector.shape_cast %add3A_897 : vector<16xi32> to vector<1x16xi32>
      tpu.vector_store %arg6[%swap3A_899, %swap3A_900], %swap3A_903 {strides = array<i32>} : memref<3x128xi32, #tpu.memory_space<vmem>>, vector<1x16xi32>,
      %get3A_904 = arith.constant 1 : i32
      %get3A_905 = arith.index_cast %get3A_904 : i32 to index
      %get3A_906 = arith.constant 192 : index
      %get3A_907 = tpu.vector_load %arg5[%get3A_905, %get3A_906] {strides = array<i32>} : memref<2x342xi32, #tpu.memory_space<vmem>>, vector<1x16xi32>,
      %get3A_908 = vector.shape_cast %get3A_907 : vector<1x16xi32> to vector<16xi32>
      %get3A_909 = arith.constant 0 : i32
      %get3A_910 = arith.index_cast %get3A_909 : i32 to index
      %get3A_911 = arith.constant 192 : index
      %get3A_912 = tpu.vector_load %arg5[%get3A_910, %get3A_911] {strides = array<i32>} : memref<2x342xi32, #tpu.memory_space<vmem>>, vector<1x16xi32>,
      %get3A_913 = vector.shape_cast %get3A_912 : vector<1x16xi32> to vector<16xi32>
      %mul3A_914 = arith.constant 128 : i32
      %mul3A_915 = vector.broadcast %mul3A_914 : i32 to vector<16xi32>
      %mul3A_916 = arith.muli %get3A_908, %mul3A_915 : vector<16xi32>
      %add3A_917 = arith.addi %mul3A_916, %get3A_913 : vector<16xi32>
      %swap3A_918 = arith.constant 1 : i32
      %swap3A_919 = arith.index_cast %swap3A_918 : i32 to index
      %swap3A_920 = arith.constant 64 : index
      %swap3A_921 = tpu.vector_load %arg6[%swap3A_919, %swap3A_920] {strides = array<i32>} : memref<3x128xi32, #tpu.memory_space<vmem>>, vector<1x16xi32>,
      %swap3A_922 = vector.shape_cast %swap3A_921 : vector<1x16xi32> to vector<16xi32>
      %swap3A_923 = vector.shape_cast %add3A_917 : vector<16xi32> to vector<1x16xi32>
      tpu.vector_store %arg6[%swap3A_919, %swap3A_920], %swap3A_923 {strides = array<i32>} : memref<3x128xi32, #tpu.memory_space<vmem>>, vector<1x16xi32>,
      %get3A_924 = arith.constant 1 : i32
      %get3A_925 = arith.index_cast %get3A_924 : i32 to index
      %get3A_926 = arith.constant 208 : index
      %get3A_927 = tpu.vector_load %arg5[%get3A_925, %get3A_926] {strides = array<i32>} : memref<2x342xi32, #tpu.memory_space<vmem>>, vector<1x16xi32>,
      %get3A_928 = vector.shape_cast %get3A_927 : vector<1x16xi32> to vector<16xi32>
      %get3A_929 = arith.constant 0 : i32
      %get3A_930 = arith.index_cast %get3A_929 : i32 to index
      %get3A_931 = arith.constant 208 : index
      %get3A_932 = tpu.vector_load %arg5[%get3A_930, %get3A_931] {strides = array<i32>} : memref<2x342xi32, #tpu.memory_space<vmem>>, vector<1x16xi32>,
      %get3A_933 = vector.shape_cast %get3A_932 : vector<1x16xi32> to vector<16xi32>
      %mul3A_934 = arith.constant 128 : i32
      %mul3A_935 = vector.broadcast %mul3A_934 : i32 to vector<16xi32>
      %mul3A_936 = arith.muli %get3A_928, %mul3A_935 : vector<16xi32>
      %add3A_937 = arith.addi %mul3A_936, %get3A_933 : vector<16xi32>
      %swap3A_938 = arith.constant 1 : i32
      %swap3A_939 = arith.index_cast %swap3A_938 : i32 to index
      %swap3A_940 = arith.constant 80 : index
      %swap3A_941 = tpu.vector_load %arg6[%swap3A_939, %swap3A_940] {strides = array<i32>} : memref<3x128xi32, #tpu.memory_space<vmem>>, vector<1x16xi32>,
      %swap3A_942 = vector.shape_cast %swap3A_941 : vector<1x16xi32> to vector<16xi32>
      %swap3A_943 = vector.shape_cast %add3A_937 : vector<16xi32> to vector<1x16xi32>
      tpu.vector_store %arg6[%swap3A_939, %swap3A_940], %swap3A_943 {strides = array<i32>} : memref<3x128xi32, #tpu.memory_space<vmem>>, vector<1x16xi32>,
      %get3A_944 = arith.constant 1 : i32
      %get3A_945 = arith.index_cast %get3A_944 : i32 to index
      %get3A_946 = arith.constant 224 : index
      %get3A_947 = tpu.vector_load %arg5[%get3A_945, %get3A_946] {strides = array<i32>} : memref<2x342xi32, #tpu.memory_space<vmem>>, vector<1x16xi32>,
      %get3A_948 = vector.shape_cast %get3A_947 : vector<1x16xi32> to vector<16xi32>
      %get3A_949 = arith.constant 0 : i32
      %get3A_950 = arith.index_cast %get3A_949 : i32 to index
      %get3A_951 = arith.constant 224 : index
      %get3A_952 = tpu.vector_load %arg5[%get3A_950, %get3A_951] {strides = array<i32>} : memref<2x342xi32, #tpu.memory_space<vmem>>, vector<1x16xi32>,
      %get3A_953 = vector.shape_cast %get3A_952 : vector<1x16xi32> to vector<16xi32>
      %mul3A_954 = arith.constant 128 : i32
      %mul3A_955 = vector.broadcast %mul3A_954 : i32 to vector<16xi32>
      %mul3A_956 = arith.muli %get3A_948, %mul3A_955 : vector<16xi32>
      %add3A_957 = arith.addi %mul3A_956, %get3A_953 : vector<16xi32>
      %swap3A_958 = arith.constant 1 : i32
      %swap3A_959 = arith.index_cast %swap3A_958 : i32 to index
      %swap3A_960 = arith.constant 96 : index
      %swap3A_961 = tpu.vector_load %arg6[%swap3A_959, %swap3A_960] {strides = array<i32>} : memref<3x128xi32, #tpu.memory_space<vmem>>, vector<1x16xi32>,
      %swap3A_962 = vector.shape_cast %swap3A_961 : vector<1x16xi32> to vector<16xi32>
      %swap3A_963 = vector.shape_cast %add3A_957 : vector<16xi32> to vector<1x16xi32>
      tpu.vector_store %arg6[%swap3A_959, %swap3A_960], %swap3A_963 {strides = array<i32>} : memref<3x128xi32, #tpu.memory_space<vmem>>, vector<1x16xi32>,
      %get3A_964 = arith.constant 1 : i32
      %get3A_965 = arith.index_cast %get3A_964 : i32 to index
      %get3A_966 = arith.constant 240 : index
      %get3A_967 = tpu.vector_load %arg5[%get3A_965, %get3A_966] {strides = array<i32>} : memref<2x342xi32, #tpu.memory_space<vmem>>, vector<1x16xi32>,
      %get3A_968 = vector.shape_cast %get3A_967 : vector<1x16xi32> to vector<16xi32>
      %get3A_969 = arith.constant 0 : i32
      %get3A_970 = arith.index_cast %get3A_969 : i32 to index
      %get3A_971 = arith.constant 240 : index
      %get3A_972 = tpu.vector_load %arg5[%get3A_970, %get3A_971] {strides = array<i32>} : memref<2x342xi32, #tpu.memory_space<vmem>>, vector<1x16xi32>,
      %get3A_973 = vector.shape_cast %get3A_972 : vector<1x16xi32> to vector<16xi32>
      %mul3A_974 = arith.constant 128 : i32
      %mul3A_975 = vector.broadcast %mul3A_974 : i32 to vector<16xi32>
      %mul3A_976 = arith.muli %get3A_968, %mul3A_975 : vector<16xi32>
      %add3A_977 = arith.addi %mul3A_976, %get3A_973 : vector<16xi32>
      %swap3A_978 = arith.constant 1 : i32
      %swap3A_979 = arith.index_cast %swap3A_978 : i32 to index
      %swap3A_980 = arith.constant 112 : index
      %swap3A_981 = tpu.vector_load %arg6[%swap3A_979, %swap3A_980] {strides = array<i32>} : memref<3x128xi32, #tpu.memory_space<vmem>>, vector<1x16xi32>,
      %swap3A_982 = vector.shape_cast %swap3A_981 : vector<1x16xi32> to vector<16xi32>
      %swap3A_983 = vector.shape_cast %add3A_977 : vector<16xi32> to vector<1x16xi32>
      tpu.vector_store %arg6[%swap3A_979, %swap3A_980], %swap3A_983 {strides = array<i32>} : memref<3x128xi32, #tpu.memory_space<vmem>>, vector<1x16xi32>,
      %get3A_984 = arith.constant 1 : i32
      %get3A_985 = arith.index_cast %get3A_984 : i32 to index
      %get3A_986 = arith.constant 256 : index
      %get3A_987 = tpu.vector_load %arg5[%get3A_985, %get3A_986] {strides = array<i32>} : memref<2x342xi32, #tpu.memory_space<vmem>>, vector<1x16xi32>,
      %get3A_988 = vector.shape_cast %get3A_987 : vector<1x16xi32> to vector<16xi32>
      %get3A_989 = arith.constant 0 : i32
      %get3A_990 = arith.index_cast %get3A_989 : i32 to index
      %get3A_991 = arith.constant 256 : index
      %get3A_992 = tpu.vector_load %arg5[%get3A_990, %get3A_991] {strides = array<i32>} : memref<2x342xi32, #tpu.memory_space<vmem>>, vector<1x16xi32>,
      %get3A_993 = vector.shape_cast %get3A_992 : vector<1x16xi32> to vector<16xi32>
      %mul3A_994 = arith.constant 128 : i32
      %mul3A_995 = vector.broadcast %mul3A_994 : i32 to vector<16xi32>
      %mul3A_996 = arith.muli %get3A_988, %mul3A_995 : vector<16xi32>
      %add3A_997 = arith.addi %mul3A_996, %get3A_993 : vector<16xi32>
      %swap3A_998 = arith.constant 2 : i32
      %swap3A_999 = arith.index_cast %swap3A_998 : i32 to index
      %swap3A_1000 = arith.constant 0 : index
      %swap3A_1001 = tpu.vector_load %arg6[%swap3A_999, %swap3A_1000] {strides = array<i32>} : memref<3x128xi32, #tpu.memory_space<vmem>>, vector<1x16xi32>,
      %swap3A_1002 = vector.shape_cast %swap3A_1001 : vector<1x16xi32> to vector<16xi32>
      %swap3A_1003 = vector.shape_cast %add3A_997 : vector<16xi32> to vector<1x16xi32>
      tpu.vector_store %arg6[%swap3A_999, %swap3A_1000], %swap3A_1003 {strides = array<i32>} : memref<3x128xi32, #tpu.memory_space<vmem>>, vector<1x16xi32>,
      %get3A_1004 = arith.constant 1 : i32
      %get3A_1005 = arith.index_cast %get3A_1004 : i32 to index
      %get3A_1006 = arith.constant 272 : index
      %get3A_1007 = tpu.vector_load %arg5[%get3A_1005, %get3A_1006] {strides = array<i32>} : memref<2x342xi32, #tpu.memory_space<vmem>>, vector<1x16xi32>,
      %get3A_1008 = vector.shape_cast %get3A_1007 : vector<1x16xi32> to vector<16xi32>
      %get3A_1009 = arith.constant 0 : i32
      %get3A_1010 = arith.index_cast %get3A_1009 : i32 to index
      %get3A_1011 = arith.constant 272 : index
      %get3A_1012 = tpu.vector_load %arg5[%get3A_1010, %get3A_1011] {strides = array<i32>} : memref<2x342xi32, #tpu.memory_space<vmem>>, vector<1x16xi32>,
      %get3A_1013 = vector.shape_cast %get3A_1012 : vector<1x16xi32> to vector<16xi32>
      %mul3A_1014 = arith.constant 128 : i32
      %mul3A_1015 = vector.broadcast %mul3A_1014 : i32 to vector<16xi32>
      %mul3A_1016 = arith.muli %get3A_1008, %mul3A_1015 : vector<16xi32>
      %add3A_1017 = arith.addi %mul3A_1016, %get3A_1013 : vector<16xi32>
      %swap3A_1018 = arith.constant 2 : i32
      %swap3A_1019 = arith.index_cast %swap3A_1018 : i32 to index
      %swap3A_1020 = arith.constant 16 : index
      %swap3A_1021 = tpu.vector_load %arg6[%swap3A_1019, %swap3A_1020] {strides = array<i32>} : memref<3x128xi32, #tpu.memory_space<vmem>>, vector<1x16xi32>,
      %swap3A_1022 = vector.shape_cast %swap3A_1021 : vector<1x16xi32> to vector<16xi32>
      %swap3A_1023 = vector.shape_cast %add3A_1017 : vector<16xi32> to vector<1x16xi32>
      tpu.vector_store %arg6[%swap3A_1019, %swap3A_1020], %swap3A_1023 {strides = array<i32>} : memref<3x128xi32, #tpu.memory_space<vmem>>, vector<1x16xi32>,
      %get3A_1024 = arith.constant 1 : i32
      %get3A_1025 = arith.index_cast %get3A_1024 : i32 to index
      %get3A_1026 = arith.constant 288 : index
      %get3A_1027 = tpu.vector_load %arg5[%get3A_1025, %get3A_1026] {strides = array<i32>} : memref<2x342xi32, #tpu.memory_space<vmem>>, vector<1x16xi32>,
      %get3A_1028 = vector.shape_cast %get3A_1027 : vector<1x16xi32> to vector<16xi32>
      %get3A_1029 = arith.constant 0 : i32
      %get3A_1030 = arith.index_cast %get3A_1029 : i32 to index
      %get3A_1031 = arith.constant 288 : index
      %get3A_1032 = tpu.vector_load %arg5[%get3A_1030, %get3A_1031] {strides = array<i32>} : memref<2x342xi32, #tpu.memory_space<vmem>>, vector<1x16xi32>,
      %get3A_1033 = vector.shape_cast %get3A_1032 : vector<1x16xi32> to vector<16xi32>
      %mul3A_1034 = arith.constant 128 : i32
      %mul3A_1035 = vector.broadcast %mul3A_1034 : i32 to vector<16xi32>
      %mul3A_1036 = arith.muli %get3A_1028, %mul3A_1035 : vector<16xi32>
      %add3A_1037 = arith.addi %mul3A_1036, %get3A_1033 : vector<16xi32>
      %swap3A_1038 = arith.constant 2 : i32
      %swap3A_1039 = arith.index_cast %swap3A_1038 : i32 to index
      %swap3A_1040 = arith.constant 32 : index
      %swap3A_1041 = tpu.vector_load %arg6[%swap3A_1039, %swap3A_1040] {strides = array<i32>} : memref<3x128xi32, #tpu.memory_space<vmem>>, vector<1x16xi32>,
      %swap3A_1042 = vector.shape_cast %swap3A_1041 : vector<1x16xi32> to vector<16xi32>
      %swap3A_1043 = vector.shape_cast %add3A_1037 : vector<16xi32> to vector<1x16xi32>
      tpu.vector_store %arg6[%swap3A_1039, %swap3A_1040], %swap3A_1043 {strides = array<i32>} : memref<3x128xi32, #tpu.memory_space<vmem>>, vector<1x16xi32>,
      %get3A_1044 = arith.constant 1 : i32
      %get3A_1045 = arith.index_cast %get3A_1044 : i32 to index
      %get3A_1046 = arith.constant 304 : index
      %get3A_1047 = tpu.vector_load %arg5[%get3A_1045, %get3A_1046] {strides = array<i32>} : memref<2x342xi32, #tpu.memory_space<vmem>>, vector<1x16xi32>,
      %get3A_1048 = vector.shape_cast %get3A_1047 : vector<1x16xi32> to vector<16xi32>
      %get3A_1049 = arith.constant 0 : i32
      %get3A_1050 = arith.index_cast %get3A_1049 : i32 to index
      %get3A_1051 = arith.constant 304 : index
      %get3A_1052 = tpu.vector_load %arg5[%get3A_1050, %get3A_1051] {strides = array<i32>} : memref<2x342xi32, #tpu.memory_space<vmem>>, vector<1x16xi32>,
      %get3A_1053 = vector.shape_cast %get3A_1052 : vector<1x16xi32> to vector<16xi32>
      %mul3A_1054 = arith.constant 128 : i32
      %mul3A_1055 = vector.broadcast %mul3A_1054 : i32 to vector<16xi32>
      %mul3A_1056 = arith.muli %get3A_1048, %mul3A_1055 : vector<16xi32>
      %add3A_1057 = arith.addi %mul3A_1056, %get3A_1053 : vector<16xi32>
      %swap3A_1058 = arith.constant 2 : i32
      %swap3A_1059 = arith.index_cast %swap3A_1058 : i32 to index
      %swap3A_1060 = arith.constant 48 : index
      %swap3A_1061 = tpu.vector_load %arg6[%swap3A_1059, %swap3A_1060] {strides = array<i32>} : memref<3x128xi32, #tpu.memory_space<vmem>>, vector<1x16xi32>,
      %swap3A_1062 = vector.shape_cast %swap3A_1061 : vector<1x16xi32> to vector<16xi32>
      %swap3A_1063 = vector.shape_cast %add3A_1057 : vector<16xi32> to vector<1x16xi32>
      tpu.vector_store %arg6[%swap3A_1059, %swap3A_1060], %swap3A_1063 {strides = array<i32>} : memref<3x128xi32, #tpu.memory_space<vmem>>, vector<1x16xi32>,
      %get3A_1064 = arith.constant 1 : i32
      %get3A_1065 = arith.index_cast %get3A_1064 : i32 to index
      %get3A_1066 = arith.constant 320 : index
      %get3A_1067 = tpu.vector_load %arg5[%get3A_1065, %get3A_1066] {strides = array<i32>} : memref<2x342xi32, #tpu.memory_space<vmem>>, vector<1x16xi32>,
      %get3A_1068 = vector.shape_cast %get3A_1067 : vector<1x16xi32> to vector<16xi32>
      %get3A_1069 = arith.constant 0 : i32
      %get3A_1070 = arith.index_cast %get3A_1069 : i32 to index
      %get3A_1071 = arith.constant 320 : index
      %get3A_1072 = tpu.vector_load %arg5[%get3A_1070, %get3A_1071] {strides = array<i32>} : memref<2x342xi32, #tpu.memory_space<vmem>>, vector<1x16xi32>,
      %get3A_1073 = vector.shape_cast %get3A_1072 : vector<1x16xi32> to vector<16xi32>
      %mul3A_1074 = arith.constant 128 : i32
      %mul3A_1075 = vector.broadcast %mul3A_1074 : i32 to vector<16xi32>
      %mul3A_1076 = arith.muli %get3A_1068, %mul3A_1075 : vector<16xi32>
      %add3A_1077 = arith.addi %mul3A_1076, %get3A_1073 : vector<16xi32>
      %swap3A_1078 = arith.constant 2 : i32
      %swap3A_1079 = arith.index_cast %swap3A_1078 : i32 to index
      %swap3A_1080 = arith.constant 64 : index
      %swap3A_1081 = tpu.vector_load %arg6[%swap3A_1079, %swap3A_1080] {strides = array<i32>} : memref<3x128xi32, #tpu.memory_space<vmem>>, vector<1x16xi32>,
      %swap3A_1082 = vector.shape_cast %swap3A_1081 : vector<1x16xi32> to vector<16xi32>
      %swap3A_1083 = vector.shape_cast %add3A_1077 : vector<16xi32> to vector<1x16xi32>
      tpu.vector_store %arg6[%swap3A_1079, %swap3A_1080], %swap3A_1083 {strides = array<i32>} : memref<3x128xi32, #tpu.memory_space<vmem>>, vector<1x16xi32>,
      %get3A_1084 = arith.constant 1 : i32
      %get3A_1085 = arith.index_cast %get3A_1084 : i32 to index
      %get3A_1086 = arith.constant 326 : index
      %get3A_1087 = tpu.vector_load %arg5[%get3A_1085, %get3A_1086] {strides = array<i32>} : memref<2x342xi32, #tpu.memory_space<vmem>>, vector<1x16xi32>,
      %get3A_1088 = vector.shape_cast %get3A_1087 : vector<1x16xi32> to vector<16xi32>
      %get3A_1089 = arith.constant 0 : i32
      %get3A_1090 = arith.index_cast %get3A_1089 : i32 to index
      %get3A_1091 = arith.constant 326 : index
      %get3A_1092 = tpu.vector_load %arg5[%get3A_1090, %get3A_1091] {strides = array<i32>} : memref<2x342xi32, #tpu.memory_space<vmem>>, vector<1x16xi32>,
      %get3A_1093 = vector.shape_cast %get3A_1092 : vector<1x16xi32> to vector<16xi32>
      %mul3A_1094 = arith.constant 128 : i32
      %mul3A_1095 = vector.broadcast %mul3A_1094 : i32 to vector<16xi32>
      %mul3A_1096 = arith.muli %get3A_1088, %mul3A_1095 : vector<16xi32>
      %add3A_1097 = arith.addi %mul3A_1096, %get3A_1093 : vector<16xi32>
      %swap3A_1098 = arith.constant 2 : i32
      %swap3A_1099 = arith.index_cast %swap3A_1098 : i32 to index
      %swap3A_1100 = arith.constant 70 : index
      %swap3A_1101 = tpu.vector_load %arg6[%swap3A_1099, %swap3A_1100] {strides = array<i32>} : memref<3x128xi32, #tpu.memory_space<vmem>>, vector<1x16xi32>,
      %swap3A_1102 = vector.shape_cast %swap3A_1101 : vector<1x16xi32> to vector<16xi32>
      %swap3A_1103 = vector.shape_cast %add3A_1097 : vector<16xi32> to vector<1x16xi32>
      tpu.vector_store %arg6[%swap3A_1099, %swap3A_1100], %swap3A_1103 {strides = array<i32>} : memref<3x128xi32, #tpu.memory_space<vmem>>, vector<1x16xi32>,
      %dma_wait3A = arith.constant 0 : i32
      %dma_wait3A_1104 = tpu.memref_slice %arg7[%dma_wait3A] : memref<384xf32, #tpu.memory_space<vmem>> -> memref<342xf32, #tpu.memory_space<vmem>>
      %dma_wait3A_1105 = arith.constant 0 : i32
      %dma_wait3A_1106 = tpu.memref_slice %arg7[%dma_wait3A_1105] : memref<384xf32, #tpu.memory_space<vmem>> -> memref<342xf32, #tpu.memory_space<vmem>>
      tpu.wait_dma2 semaphore(%arg11 : memref<!tpu.dma_semaphore, #tpu.memory_space<semaphore_mem>>) src(%arg3 : memref<342xf32, #tpu.memory_space<hbm>>) dst(%dma_wait3A_1106 : memref<342xf32, #tpu.memory_space<vmem>>)
      tpu.wait_dma2 semaphore(%arg12 : memref<!tpu.dma_semaphore, #tpu.memory_space<semaphore_mem>>) src(%arg8 : memref<2560xf32, #tpu.memory_space<vmem>>) dst(%arg9 : memref<2560xf32, #tpu.memory_space<vmem_shared>>)
      %dma_start3A_1107 = arith.constant 0 : i32
      %dma_start3A_1108 = arith.constant 0 : i32
      %dma_start3A_1109 = tpu.memref_slice %arg7[%dma_start3A_1108] : memref<384xf32, #tpu.memory_space<vmem>> -> memref<128xf32, #tpu.memory_space<vmem>>
      %dma_start3A_1110 = arith.constant 0 : i32
      %dma_start3A_1111 = tpu.memref_slice %arg6[%dma_start3A_1107, %dma_start3A_1110] : memref<3x128xi32, #tpu.memory_space<vmem>> -> memref<1x128xi32, #tpu.memory_space<vmem>>
      %dma_start3A_1112 = tpu.memref_squeeze %dma_start3A_1111 : memref<1x128xi32, #tpu.memory_space<vmem>> -> memref<128xi32, #tpu.memory_space<vmem>>
      %dma_start3A_1113 = arith.constant 0 : i32
      %dma_start3A_1114 = tpu.memref_slice %arg9[%dma_start3A_1113] : memref<2560xf32, #tpu.memory_space<vmem_shared>> -> memref<2560xf32, #tpu.memory_space<vmem_shared>>
      tpu.enqueue_indirect_dma source(%dma_start3A_1109 : memref<128xf32, #tpu.memory_space<vmem>>) target(%dma_start3A_1114 : memref<2560xf32, #tpu.memory_space<vmem_shared>>) offsets(%dma_start3A_1112 : memref<128xi32, #tpu.memory_space<vmem>>) semaphore(%arg13 : memref<!tpu.dma_semaphore, #tpu.memory_space<semaphore_mem>>) {add = true}
      %dma_start3A_1115 = arith.constant 1 : i32
      %dma_start3A_1116 = arith.constant 128 : i32
      %dma_start3A_1117 = tpu.memref_slice %arg7[%dma_start3A_1116] : memref<384xf32, #tpu.memory_space<vmem>> -> memref<128xf32, #tpu.memory_space<vmem>>
      %dma_start3A_1118 = arith.constant 0 : i32
      %dma_start3A_1119 = tpu.memref_slice %arg6[%dma_start3A_1115, %dma_start3A_1118] : memref<3x128xi32, #tpu.memory_space<vmem>> -> memref<1x128xi32, #tpu.memory_space<vmem>>
      %dma_start3A_1120 = tpu.memref_squeeze %dma_start3A_1119 : memref<1x128xi32, #tpu.memory_space<vmem>> -> memref<128xi32, #tpu.memory_space<vmem>>
      %dma_start3A_1121 = arith.constant 0 : i32
      %dma_start3A_1122 = tpu.memref_slice %arg9[%dma_start3A_1121] : memref<2560xf32, #tpu.memory_space<vmem_shared>> -> memref<2560xf32, #tpu.memory_space<vmem_shared>>
      tpu.enqueue_indirect_dma source(%dma_start3A_1117 : memref<128xf32, #tpu.memory_space<vmem>>) target(%dma_start3A_1122 : memref<2560xf32, #tpu.memory_space<vmem_shared>>) offsets(%dma_start3A_1120 : memref<128xi32, #tpu.memory_space<vmem>>) semaphore(%arg13 : memref<!tpu.dma_semaphore, #tpu.memory_space<semaphore_mem>>) {add = true}
      %dma_start3A_1123 = arith.constant 2 : i32
      %dma_start3A_1124 = arith.constant 256 : i32
      %dma_start3A_1125 = tpu.memref_slice %arg7[%dma_start3A_1124] : memref<384xf32, #tpu.memory_space<vmem>> -> memref<128xf32, #tpu.memory_space<vmem>>
      %dma_start3A_1126 = arith.constant 0 : i32
      %dma_start3A_1127 = tpu.memref_slice %arg6[%dma_start3A_1123, %dma_start3A_1126] : memref<3x128xi32, #tpu.memory_space<vmem>> -> memref<1x128xi32, #tpu.memory_space<vmem>>
      %dma_start3A_1128 = tpu.memref_squeeze %dma_start3A_1127 : memref<1x128xi32, #tpu.memory_space<vmem>> -> memref<128xi32, #tpu.memory_space<vmem>>
      %dma_start3A_1129 = arith.constant 0 : i32
      %dma_start3A_1130 = tpu.memref_slice %arg9[%dma_start3A_1129] : memref<2560xf32, #tpu.memory_space<vmem_shared>> -> memref<2560xf32, #tpu.memory_space<vmem_shared>>
      tpu.enqueue_indirect_dma source(%dma_start3A_1125 : memref<128xf32, #tpu.memory_space<vmem>>) target(%dma_start3A_1130 : memref<2560xf32, #tpu.memory_space<vmem_shared>>) offsets(%dma_start3A_1128 : memref<128xi32, #tpu.memory_space<vmem>>) semaphore(%arg13 : memref<!tpu.dma_semaphore, #tpu.memory_space<semaphore_mem>>) {add = true}
      %dma_wait3A_1131 = arith.constant 0 : i32
      %dma_wait3A_1132 = arith.constant 0 : i32
      %dma_wait3A_1133 = tpu.memref_slice %arg7[%dma_wait3A_1132] : memref<384xf32, #tpu.memory_space<vmem>> -> memref<128xf32, #tpu.memory_space<vmem>>
      %dma_wait3A_1134 = arith.constant 0 : i32
      %dma_wait3A_1135 = tpu.memref_slice %arg6[%dma_wait3A_1131, %dma_wait3A_1134] : memref<3x128xi32, #tpu.memory_space<vmem>> -> memref<1x128xi32, #tpu.memory_space<vmem>>
      %dma_wait3A_1136 = tpu.memref_squeeze %dma_wait3A_1135 : memref<1x128xi32, #tpu.memory_space<vmem>> -> memref<128xi32, #tpu.memory_space<vmem>>
      %dma_wait3A_1137 = arith.constant 0 : i32
      %dma_wait3A_1138 = tpu.memref_slice %arg9[%dma_wait3A_1137] : memref<2560xf32, #tpu.memory_space<vmem_shared>> -> memref<2560xf32, #tpu.memory_space<vmem_shared>>
      tpu.wait_indirect_dma semaphore(%arg13 : memref<!tpu.dma_semaphore, #tpu.memory_space<semaphore_mem>>) src(%dma_wait3A_1133 : memref<128xf32, #tpu.memory_space<vmem>>) dst(%dma_wait3A_1138 : memref<2560xf32, #tpu.memory_space<vmem_shared>>)
      %dma_wait3A_1139 = arith.constant 1 : i32
      %dma_wait3A_1140 = arith.constant 128 : i32
      %dma_wait3A_1141 = tpu.memref_slice %arg7[%dma_wait3A_1140] : memref<384xf32, #tpu.memory_space<vmem>> -> memref<128xf32, #tpu.memory_space<vmem>>
      %dma_wait3A_1142 = arith.constant 0 : i32
      %dma_wait3A_1143 = tpu.memref_slice %arg6[%dma_wait3A_1139, %dma_wait3A_1142] : memref<3x128xi32, #tpu.memory_space<vmem>> -> memref<1x128xi32, #tpu.memory_space<vmem>>
      %dma_wait3A_1144 = tpu.memref_squeeze %dma_wait3A_1143 : memref<1x128xi32, #tpu.memory_space<vmem>> -> memref<128xi32, #tpu.memory_space<vmem>>
      %dma_wait3A_1145 = arith.constant 0 : i32
      %dma_wait3A_1146 = tpu.memref_slice %arg9[%dma_wait3A_1145] : memref<2560xf32, #tpu.memory_space<vmem_shared>> -> memref<2560xf32, #tpu.memory_space<vmem_shared>>
      tpu.wait_indirect_dma semaphore(%arg13 : memref<!tpu.dma_semaphore, #tpu.memory_space<semaphore_mem>>) src(%dma_wait3A_1141 : memref<128xf32, #tpu.memory_space<vmem>>) dst(%dma_wait3A_1146 : memref<2560xf32, #tpu.memory_space<vmem_shared>>)
      %dma_wait3A_1147 = arith.constant 2 : i32
      %dma_wait3A_1148 = arith.constant 256 : i32
      %dma_wait3A_1149 = tpu.memref_slice %arg7[%dma_wait3A_1148] : memref<384xf32, #tpu.memory_space<vmem>> -> memref<128xf32, #tpu.memory_space<vmem>>
      %dma_wait3A_1150 = arith.constant 0 : i32
      %dma_wait3A_1151 = tpu.memref_slice %arg6[%dma_wait3A_1147, %dma_wait3A_1150] : memref<3x128xi32, #tpu.memory_space<vmem>> -> memref<1x128xi32, #tpu.memory_space<vmem>>
      %dma_wait3A_1152 = tpu.memref_squeeze %dma_wait3A_1151 : memref<1x128xi32, #tpu.memory_space<vmem>> -> memref<128xi32, #tpu.memory_space<vmem>>
      %dma_wait3A_1153 = arith.constant 0 : i32
      %dma_wait3A_1154 = tpu.memref_slice %arg9[%dma_wait3A_1153] : memref<2560xf32, #tpu.memory_space<vmem_shared>> -> memref<2560xf32, #tpu.memory_space<vmem_shared>>
      tpu.wait_indirect_dma semaphore(%arg13 : memref<!tpu.dma_semaphore, #tpu.memory_space<semaphore_mem>>) src(%dma_wait3A_1149 : memref<128xf32, #tpu.memory_space<vmem>>) dst(%dma_wait3A_1154 : memref<2560xf32, #tpu.memory_space<vmem_shared>>)
      "tpu.region"() ({
        %run_scoped3A = tpu.sem_alloc : memref<!tpu.dma_semaphore, #tpu.memory_space<semaphore_mem>>
        tpu.enqueue_dma source(%arg9 : memref<2560xf32, #tpu.memory_space<vmem_shared>>) target(%arg4 : memref<2560xf32, #tpu.memory_space<hbm>>) target_semaphore(%run_scoped3A : memref<!tpu.dma_semaphore, #tpu.memory_space<semaphore_mem>>)
        tpu.wait_dma2 semaphore(%run_scoped3A : memref<!tpu.dma_semaphore, #tpu.memory_space<semaphore_mem>>) src(%arg9 : memref<2560xf32, #tpu.memory_space<vmem_shared>>) dst(%arg4 : memref<2560xf32, #tpu.memory_space<hbm>>)
        tpu.yield
      }) : () -> ()
    } else {
    }
    return
  }
}

module attributes {stable_mosaic.version = 14 : i64} {
  func.func @_proj_kernel(%arg0: memref<19x1025xf32, #tpu.memory_space<vmem>>, %arg1: memref<1025x256xf32, #tpu.memory_space<vmem>>, %arg2: memref<19x256xf32, #tpu.memory_space<vmem>>) attributes {dimension_semantics = [], scalar_prefetch = 0 : i64, scratch_operands = 0 : i64, tpu.core_type = #tpu.core_type<tc>} {
    %get3A = arith.constant 0 : index
    %get3A_0 = arith.constant 0 : index
    %get3A_1 = vector.load %arg0[%get3A, %get3A_0] : memref<19x1025xf32, #tpu.memory_space<vmem>>, vector<19x1025xf32>
    %get3A_2 = arith.constant 0 : index
    %get3A_3 = arith.constant 0 : index
    %get3A_4 = vector.load %arg1[%get3A_2, %get3A_3] : memref<1025x256xf32, #tpu.memory_space<vmem>>, vector<1025x256xf32>
    %dot_general3A = arith.constant dense<0.000000e+00> : vector<19x256xf32>
    %dot_general3A_5 = tpu.matmul %get3A_1, %get3A_4, %dot_general3A {dimension_numbers = #tpu.dot_dimension_numbers<[1], [0], [0], [1], [0, 0, 1, 1], [], []>, transpose_lhs_hint = false} : vector<19x1025xf32>, vector<1025x256xf32>, vector<19x256xf32> -> vector<19x256xf32>
    %swap3A = arith.constant 0 : index
    %swap3A_6 = arith.constant 0 : index
    %swap3A_7 = vector.load %arg2[%swap3A, %swap3A_6] : memref<19x256xf32, #tpu.memory_space<vmem>>, vector<19x256xf32>
    tpu.vector_store %arg2[%swap3A, %swap3A_6], %dot_general3A_5 {strides = array<i32>} : memref<19x256xf32, #tpu.memory_space<vmem>>, vector<19x256xf32>,
    return
  }
}

module attributes {stable_mosaic.version = 14 : i64} {
  func.func @_dense_kernel(%arg0: memref<2560xf32, #tpu.memory_space<vmem>>, %arg1: memref<19x256xf32, #tpu.memory_space<vmem>>, %arg2: memref<256xf32, #tpu.memory_space<vmem>>, %arg3: memref<256x256xf32, #tpu.memory_space<vmem>>, %arg4: memref<256xf32, #tpu.memory_space<vmem>>, %arg5: memref<256x512xf32, #tpu.memory_space<vmem>>, %arg6: memref<512xf32, #tpu.memory_space<vmem>>, %arg7: memref<512x512xf32, #tpu.memory_space<vmem>>, %arg8: memref<512xf32, #tpu.memory_space<vmem>>, %arg9: memref<19x512xf32, #tpu.memory_space<vmem>>, %arg10: memref<1xf32, #tpu.memory_space<vmem>>, %arg11: memref<1x1xf32, #tpu.memory_space<vmem>>) attributes {dimension_semantics = [], scalar_prefetch = 0 : i64, scratch_operands = 0 : i64, tpu.core_type = #tpu.core_type<tc>} {
    %get3A = arith.constant 0 : index
    %get3A_0 = vector.load %arg0[%get3A] : memref<2560xf32, #tpu.memory_space<vmem>>, vector<2560xf32>
    %reshape3A = vector.shape_cast %get3A_0 : vector<2560xf32> to vector<20x128xf32>
    %slice3A = vector.extract_strided_slice %reshape3A {offsets = [0, 0], sizes = [19, 19], strides = [1, 1]} : vector<20x128xf32> to vector<19x19xf32>
    %iota3A = tpu.iota {dimensions = array<i32: 0>} : vector<19x19xi32>
    %iota3A_1 = tpu.iota {dimensions = array<i32: 1>} : vector<19x19xi32>
    %eq3A = arith.cmpi eq, %iota3A, %iota3A_1 : vector<19x19xi32>
    %convert_element_type3A = arith.extui %eq3A : vector<19x19xi1> to vector<19x19xi32>
    %convert_element_type3A_2 = arith.sitofp %convert_element_type3A : vector<19x19xi32> to vector<19x19xf32>
    %add3A = arith.addf %slice3A, %convert_element_type3A_2 : vector<19x19xf32>
    %get3A_3 = arith.constant 0 : index
    %get3A_4 = arith.constant 0 : index
    %get3A_5 = vector.load %arg1[%get3A_3, %get3A_4] : memref<19x256xf32, #tpu.memory_space<vmem>>, vector<19x256xf32>
    %dot_general3A = arith.constant dense<0.000000e+00> : vector<19x256xf32>
    %dot_general3A_6 = tpu.matmul %add3A, %get3A_5, %dot_general3A {dimension_numbers = #tpu.dot_dimension_numbers<[1], [0], [0], [1], [0, 0, 1, 1], [], []>, transpose_lhs_hint = false} : vector<19x19xf32>, vector<19x256xf32>, vector<19x256xf32> -> vector<19x256xf32>
    %get3A_7 = arith.constant 0 : index
    %get3A_8 = vector.load %arg2[%get3A_7] : memref<256xf32, #tpu.memory_space<vmem>>, vector<256xf32>
    %broadcast_in_dim3A = vector.shape_cast %get3A_8 : vector<256xf32> to vector<1x256xf32>
    %add3A_9 = vector.broadcast %broadcast_in_dim3A : vector<1x256xf32> to vector<19x256xf32>
    %add3A_10 = arith.addf %dot_general3A_6, %add3A_9 : vector<19x256xf32>
    %max3A = arith.constant 0.000000e+00 : f32
    %max3A_11 = vector.broadcast %max3A : f32 to vector<19x256xf32>
    %max3A_12 = arith.maximumf %add3A_10, %max3A_11 : vector<19x256xf32>
    %get3A_13 = arith.constant 0 : index
    %get3A_14 = arith.constant 0 : index
    %get3A_15 = vector.load %arg3[%get3A_13, %get3A_14] : memref<256x256xf32, #tpu.memory_space<vmem>>, vector<256x256xf32>
    %dot_general3A_16 = arith.constant dense<0.000000e+00> : vector<19x256xf32>
    %dot_general3A_17 = tpu.matmul %max3A_12, %get3A_15, %dot_general3A_16 {dimension_numbers = #tpu.dot_dimension_numbers<[1], [0], [0], [1], [0, 0, 1, 1], [], []>, transpose_lhs_hint = false} : vector<19x256xf32>, vector<256x256xf32>, vector<19x256xf32> -> vector<19x256xf32>
    %get3A_18 = arith.constant 0 : index
    %get3A_19 = vector.load %arg4[%get3A_18] : memref<256xf32, #tpu.memory_space<vmem>>, vector<256xf32>
    %broadcast_in_dim3A_20 = vector.shape_cast %get3A_19 : vector<256xf32> to vector<1x256xf32>
    %add3A_21 = vector.broadcast %broadcast_in_dim3A_20 : vector<1x256xf32> to vector<19x256xf32>
    %add3A_22 = arith.addf %dot_general3A_17, %add3A_21 : vector<19x256xf32>
    %max3A_23 = arith.constant 0.000000e+00 : f32
    %max3A_24 = vector.broadcast %max3A_23 : f32 to vector<19x256xf32>
    %max3A_25 = arith.maximumf %add3A_22, %max3A_24 : vector<19x256xf32>
    %dot_general3A_26 = arith.constant dense<0.000000e+00> : vector<19x256xf32>
    %dot_general3A_27 = tpu.matmul %add3A, %max3A_25, %dot_general3A_26 {dimension_numbers = #tpu.dot_dimension_numbers<[1], [0], [0], [1], [0, 0, 1, 1], [], []>, transpose_lhs_hint = false} : vector<19x19xf32>, vector<19x256xf32>, vector<19x256xf32> -> vector<19x256xf32>
    %get3A_28 = arith.constant 0 : index
    %get3A_29 = arith.constant 0 : index
    %get3A_30 = vector.load %arg5[%get3A_28, %get3A_29] : memref<256x512xf32, #tpu.memory_space<vmem>>, vector<256x512xf32>
    %dot_general3A_31 = arith.constant dense<0.000000e+00> : vector<19x512xf32>
    %dot_general3A_32 = tpu.matmul %dot_general3A_27, %get3A_30, %dot_general3A_31 {dimension_numbers = #tpu.dot_dimension_numbers<[1], [0], [0], [1], [0, 0, 1, 1], [], []>, transpose_lhs_hint = false} : vector<19x256xf32>, vector<256x512xf32>, vector<19x512xf32> -> vector<19x512xf32>
    %get3A_33 = arith.constant 0 : index
    %get3A_34 = vector.load %arg6[%get3A_33] : memref<512xf32, #tpu.memory_space<vmem>>, vector<512xf32>
    %broadcast_in_dim3A_35 = vector.shape_cast %get3A_34 : vector<512xf32> to vector<1x512xf32>
    %add3A_36 = vector.broadcast %broadcast_in_dim3A_35 : vector<1x512xf32> to vector<19x512xf32>
    %add3A_37 = arith.addf %dot_general3A_32, %add3A_36 : vector<19x512xf32>
    %max3A_38 = arith.constant 0.000000e+00 : f32
    %max3A_39 = vector.broadcast %max3A_38 : f32 to vector<19x512xf32>
    %max3A_40 = arith.maximumf %add3A_37, %max3A_39 : vector<19x512xf32>
    %get3A_41 = arith.constant 0 : index
    %get3A_42 = arith.constant 0 : index
    %get3A_43 = vector.load %arg7[%get3A_41, %get3A_42] : memref<512x512xf32, #tpu.memory_space<vmem>>, vector<512x512xf32>
    %dot_general3A_44 = arith.constant dense<0.000000e+00> : vector<19x512xf32>
    %dot_general3A_45 = tpu.matmul %max3A_40, %get3A_43, %dot_general3A_44 {dimension_numbers = #tpu.dot_dimension_numbers<[1], [0], [0], [1], [0, 0, 1, 1], [], []>, transpose_lhs_hint = false} : vector<19x512xf32>, vector<512x512xf32>, vector<19x512xf32> -> vector<19x512xf32>
    %get3A_46 = arith.constant 0 : index
    %get3A_47 = vector.load %arg8[%get3A_46] : memref<512xf32, #tpu.memory_space<vmem>>, vector<512xf32>
    %broadcast_in_dim3A_48 = vector.shape_cast %get3A_47 : vector<512xf32> to vector<1x512xf32>
    %add3A_49 = vector.broadcast %broadcast_in_dim3A_48 : vector<1x512xf32> to vector<19x512xf32>
    %add3A_50 = arith.addf %dot_general3A_45, %add3A_49 : vector<19x512xf32>
    %get3A_51 = arith.constant 0 : index
    %get3A_52 = arith.constant 0 : index
    %get3A_53 = vector.load %arg9[%get3A_51, %get3A_52] : memref<19x512xf32, #tpu.memory_space<vmem>>, vector<19x512xf32>
    %mul3A = arith.mulf %add3A_50, %get3A_53 : vector<19x512xf32>
    %reduce_sum3A = arith.constant dense<0.000000e+00> : vector<19xf32>
    %reduce_sum3A_54 = vector.multi_reduction <add>, %mul3A, %reduce_sum3A [1] : vector<19x512xf32> to vector<19xf32>
    %broadcast_in_dim3A_55 = vector.shape_cast %reduce_sum3A_54 : vector<19xf32> to vector<19x1xf32>
    %reduce_sum3A_56 = arith.constant dense<0.000000e+00> : vector<1xf32>
    %reduce_sum3A_57 = vector.multi_reduction <add>, %broadcast_in_dim3A_55, %reduce_sum3A_56 [0] : vector<19x1xf32> to vector<1xf32>
    %broadcast_in_dim3A_58 = vector.shape_cast %reduce_sum3A_57 : vector<1xf32> to vector<1x1xf32>
    %get3A_59 = arith.constant 0 : index
    %get3A_60 = vector.load %arg10[%get3A_59] : memref<1xf32, #tpu.memory_space<vmem>>, vector<1xf32>
    %broadcast_in_dim3A_61 = vector.shape_cast %get3A_60 : vector<1xf32> to vector<1x1xf32>
    %add3A_62 = arith.addf %broadcast_in_dim3A_58, %broadcast_in_dim3A_61 : vector<1x1xf32>
    %logistic3A = arith.negf %add3A_62 : vector<1x1xf32>
    %logistic3A_63 = math.exp %logistic3A : vector<1x1xf32>
    %logistic3A_64 = arith.constant 1.000000e+00 : f32
    %logistic3A_65 = vector.broadcast %logistic3A_64 : f32 to vector<1x1xf32>
    %logistic3A_66 = arith.addf %logistic3A_65, %logistic3A_63 : vector<1x1xf32>
    %logistic3A_67 = arith.divf %logistic3A_65, %logistic3A_66 : vector<1x1xf32>
    %swap3A = arith.constant 0 : index
    %swap3A_68 = arith.constant 0 : index
    %swap3A_69 = vector.load %arg11[%swap3A, %swap3A_68] : memref<1x1xf32, #tpu.memory_space<vmem>>, vector<1x1xf32>
    tpu.vector_store %arg11[%swap3A, %swap3A_68], %logistic3A_67 {strides = array<i32>} : memref<1x1xf32, #tpu.memory_space<vmem>>, vector<1x1xf32>,
    return
  }
}

</mosaic_0001>

<sc_bundles>
// kernel: _run.5.cloned.1.call-start
scs
__scs_entry_jumppad:
0x0: {  	(pc) =	sbr.rel $0x88, $3  }
0x1: {  	(tag) =	ssettag $0x0;
	lr =	simm.s32 $0x1  }
0x2: {  	[smem:$0x3F94] =	sst lr;
	_ =	strace $0xD0000000  }
0x3: {  	_ = 	snop  }
0x4: {  	_ = 	snop  }
0x5: {  	_ = 	snop  }
0x6: {  	_ = 	snop  }
0x7: {  	_ = 	snop  }
__scs_overlays_trampoline_lowered:
0x8: {  	[smem:$0x3FA3] =	sst s0  }
0x9: {  	[smem:$0x3FA4] =	sst s1  }
0xa: {  	[smem:$0x3FA5] =	sst s2  }
0xb: {  	[smem:$0x3FA6] =	sst s3  }
0xc: {  	[smem:$0x3FA7] =	sst s4  }
0xd: {  	[smem:$0x3FA8] =	sst s5  }
0xe: {  	[smem:$0x3FA9] =	sst s6  }
0xf: {  	[smem:$0x3FAA] =	sst s7  }
0x10: {  	[smem:$0x3FAB] =	sst s8  }
0x11: {  	[smem:$0x3FAC] =	sst s9;
	s0 =	simm.s32 @!p0 $0x0  }
0x12: {  	s1 =	sld [smem:$0x3F92];
	s0 =	simm.s32 @p0 $0x1  }
0x13: {  	[smem:$0x3FAD] =	sst s0;
	s0 =	simm.s32 @!p1 $0x0  }
0x14: {  	s2 =	sld [smem:$0x3F91];
	s0 =	simm.s32 @p1 $0x1  }
0x15: {  	[smem:$0x3FAE] =	sst s0;
	s0 =	simm.s32 @!p2 $0x0  }
0x16: {  	s3 =	sld [smem:$0x3FDB];
	s0 =	simm.s32 @p2 $0x1  }
0x17: {  	s4 =	simm.s32 $0x1BF5;
	[smem:$0x3FB0] =	sst s0  }
0x18: {  	s0 =	sld [smem:$0x3F93];
	_ =	swait.ge [sflag:s4], $0x0  }
0x19: {  	s7 =	sld [smem:$0x3F94]  }
0x1a: {  	s8 =	sadd.s32 $0xFFFFE003, lr  }
0x1b: {  	s9 =	sadd.s32 $0xFFFFFEF7, lr;
	s5 =	simm.s32 $0xFFFFFFFF;
	p2 =	slt.u32 s8, $0xFFFFF086  }
0x1c: {  	p1 =	slt.u32 s9, $0xF7A;
	s5 =	simm.s32 @!p2 $0x0  }
0x1d: {  	s5 =	simm.s32 @p1 $0x1;
	p0 =	seq.s32 s7, s2  }
0x1e: {  	s7 =	smul.u32 @!p0 $0xF7A, s2;
	p2 =	seq.s32 @!p0 s5, $0x0  }
0x1f: {  	s9 =	smul.u32 $0xF7A, s1;
	s8 =	simm.s32 @!p0 $0x1BF5;
	p2 =	por !p2, p0  }
0x20: {  	[sflag:s8] =	ssyncset.s32 @!p0 $0xFFFFF086;
	s6 =	sadd.s32 @!p0 s3, s7;
	s7 =	simm.s32 @!p0 $0x108  }
0x21: {  	s3 =	sadd.s32 s3, s9;
	s6 =	sadd.s32 @!p0 $0x88, s6;
	s7 =	simm.s32 @p2 $0x1082  }
0x22: {  	[simem:s7], [sflag:s8] =	dma.local @!p0 [hbm:s6], $0xF7A  }
0x23: {  	s9 =	sor.u32 $0xD0000000, s2;
	s6 =	simm.s32 $0x108;
	_ =	swait.ge @!p0 [sflag:s8], $0x0  }
0x24: {  	s3 =	sadd.s32 $0x88, s3;
	s6 =	simm.s32 @!p1 $0x1082;
	[sflag:s4] =	ssyncset.s32 $0xFFFFF086  }
0x25: {  	[simem:s6], [sflag:s4] =	dma.local [hbm:s3], $0xF7A  }
0x26: {  	[smem:$0x3F94] =	sst s1;
	(tag) =	ssettag s2;
	_ =	strace s9  }
0x27: {  	s1 =	sld [smem:$0x3FA4]  }
0x28: {  	s2 =	sld [smem:$0x3FA5]  }
0x29: {  	s4 =	sld [smem:$0x3FA7]  }
0x2a: {  	p0 =	seq.s32 s5, $0x0;
	s5 =	sld [smem:$0x3FA8]  }
0x2b: {  	s6 =	sld [smem:$0x3FA9]  }
0x2c: {  	s7 =	sld [smem:$0x3FAA]  }
0x2d: {  	s3 =	simm.s32 $0x108;
	s8 =	sld [smem:$0x3FAB]  }
0x2e: {  	s3 =	simm.s32 @!p0 $0x1082;
	s9 =	sld [smem:$0x3FAC]  }
0x2f: {  	lr =	sadd.s32 s0, s3;
	s0 =	sld [smem:$0x3FA3]  }
0x30: {  	s3 =	sld [smem:$0x3FA6]  }
0x31: {  	[smem:$0x3FAF] =	sst s10  }
0x32: {  	s10 =	sld [smem:$0x3FAD];
	_ =	sdelay $0x3  }
0x33: {  	p0 =	seq.s32 s10, $0x1;
	s10 =	sld [smem:$0x3FAF];
	_ =	sdelay $0x3  }
0x34: {  	[smem:$0x3FAF] =	sst s10  }
0x35: {  	s10 =	sld [smem:$0x3FAE];
	_ =	sdelay $0x3  }
0x36: {  	p1 =	seq.s32 s10, $0x1;
	s10 =	sld [smem:$0x3FAF];
	_ =	sdelay $0x3  }
0x37: {  	[smem:$0x3FAF] =	sst s10  }
0x38: {  	s10 =	sld [smem:$0x3FB0]  }
0x39: {  	_ = 	snop;
	(pc) =	sbr.ind lr, $3  }
0x3a: {  	_ = 	snop  }
0x3b: {  	_ = 	snop  }
0x3c: {  	p2 =	seq.s32 s10, $0x1;
	s10 =	sld [smem:$0x3FAF]  }
0x3d: {  	_ =	shalt  }
0x3e: {  	_ =	shalt  }
0x3f: {  	_ =	shalt  }
0x40: {  	_ =	shalt  }
0x41: {  	_ =	shalt  }
0x42: {  	_ =	shalt  }
0x43: {  	_ =	shalt  }
0x44: {  	_ =	shalt  }
0x45: {  	_ =	shalt  }
0x46: {  	_ =	shalt  }
0x47: {  	_ =	shalt  }
0x48: {  	_ =	shalt  }
0x49: {  	_ =	shalt  }
0x4a: {  	_ =	shalt  }
0x4b: {  	_ =	shalt  }
0x4c: {  	_ =	shalt  }
0x4d: {  	_ =	shalt  }
0x4e: {  	_ =	shalt  }
0x4f: {  	_ =	shalt  }
0x50: {  	_ =	shalt  }
0x51: {  	_ =	shalt  }
0x52: {  	_ =	shalt  }
0x53: {  	_ =	shalt  }
0x54: {  	_ =	shalt  }
0x55: {  	_ =	shalt  }
0x56: {  	_ =	shalt  }
0x57: {  	_ =	shalt  }
0x58: {  	_ =	shalt  }
0x59: {  	_ =	shalt  }
0x5a: {  	_ =	shalt  }
0x5b: {  	_ =	shalt  }
0x5c: {  	_ =	shalt  }
0x5d: {  	_ =	shalt  }
0x5e: {  	_ =	shalt  }
0x5f: {  	_ =	shalt  }
0x60: {  	_ =	shalt  }
0x61: {  	_ =	shalt  }
0x62: {  	_ =	shalt  }
0x63: {  	_ =	shalt  }
0x64: {  	_ =	shalt  }
0x65: {  	_ =	shalt  }
0x66: {  	_ =	shalt  }
0x67: {  	_ =	shalt  }
0x68: {  	_ =	shalt  }
0x69: {  	_ =	shalt  }
0x6a: {  	_ =	shalt  }
0x6b: {  	_ =	shalt  }
0x6c: {  	_ =	shalt  }
0x6d: {  	_ =	shalt  }
0x6e: {  	_ =	shalt  }
0x6f: {  	_ =	shalt  }
0x70: {  	_ =	shalt  }
0x71: {  	_ =	shalt  }
0x72: {  	_ =	shalt  }
0x73: {  	_ =	shalt  }
0x74: {  	_ =	shalt  }
0x75: {  	_ =	shalt  }
0x76: {  	_ =	shalt  }
0x77: {  	_ =	shalt  }
0x78: {  	_ =	shalt  }
0x79: {  	_ =	shalt  }
0x7a: {  	_ =	shalt  }
0x7b: {  	_ =	shalt  }
0x7c: {  	_ =	shalt  }
0x7d: {  	_ =	shalt  }
0x7e: {  	_ =	shalt  }
0x7f: {  	_ =	shalt  }
0x80: {  	_ =	shalt  }
0x81: {  	_ =	shalt  }
0x82: {  	_ =	shalt  }
0x83: {  	_ =	shalt  }
0x84: {  	_ =	shalt  }
0x85: {  	_ =	shalt  }
0x86: {  	_ =	shalt  }
0x87: {  	_ =	shalt  }
.Lfunc_end0:
.L_simem_size_0:
called_computation_lowered:
.L_overlay_start_0:
0x88: {  	s0 =	sld [smem:$0x3FD9]  }
0x89: {  	s1 =	sld [smem:$0x3FFE];
	_ =	sdelay $0x3  }
0x8a: {  	s0 =	sadd.s32 s1, s0  }
0x8b: {  	[smem:$0x3FBB] =	sst s0  }
0x8c: {  	_ = 	snop  }
0x8d: {  	s0 =	sld [smem:$0x3FC8]  }
0x8e: {  	s16 =	sld [smem:$0x3FC7];
	(tm) =	ssettm $0x1  }
0x8f: {  	s2 =	sld [smem:$0x3FFB];
	_ =	sdelay $0x3  }
0x90: {  	_ =	strace s2  }
0x91: {  	s2 =	sld [smem:$0x3FFC];
	_ =	sdelay $0x3  }
0x92: {  	_ =	strace s2  }
0x93: {  	s2 =	sld [smem:$0x3FFD];
	_ =	sdelay $0x3  }
0x94: {  	_ =	strace s2  }
0x95: {  	_ =	strace $0x8FFFFFFF  }
0x96: {  	s17 =	sld [smem:$0x3FDB];
	_ =	sdelay $0x1  }
0x97: {  	s3 =	simm.s32 $_scs_section_size  }
0x98: {  	s4 =	simm.s32 $_size__tile_overlayer_lowered;
	s5 =	simm.s32 $_tile_overlayer_lowered  }
0x99: {  	s20 =	simm.s32 $0x1BFF;
	s19 =	sshll.u32 s5, $0x1;
	s2 =	sadd.s32 s3, s17  }
0x9a: {  	s6 =	simm.s32 $0x0;
	s18 =	sshll.u32 s4, $0x1;
	s4 =	sadd.s32 s19, s2  }
0x9b: {  	[timem:s6], [sflag:s20] =	dma.local [hbm:s4], s18  }
0x9c: {  	_ =	swait.ge [sflag:s20], s18  }
0x9d: {  	s3 =	ssub.s32 $0x0, s18;
	[sflag:s20] =	ssyncset.done $0x0  }
0x9e: {  	[sflag:s20] =	ssyncadd.s32 s3;
	_ =	sdelay $0x1  }
0x9f: {  	s21 =	simm.s32 $0x1B8B  }
0xa0: {  	_ =	swait.ge [sflag:s21], $0x1  }
0xa1: {  	[sflag:s21] =	ssyncset.done $0x0  }
0xa2: {  	s23 =	simm.s32 $0x1B8E;
	s22 =	sld [smem:$0x3FFE];
	[sflag:s21] =	ssyncadd.s32 $0xFFFFFFFF  }
0xa3: {  	s24 =	simm.s32 $execute0_lowered;
	[smem:$0x3FD2] =	sst s23  }
0xa4: {  	s4 =	sshll.u32 s24, $0x1;
	_ =	strace $0x80000046;
	[dreg:$0x1] =	wrdreg $0xFFFFFFFF  }
0xa5: {  	s25 =	simm.s32 $_size_execute0_lowered;
	s2 =	sadd.s32 s2, s4;
	[dreg:$0x0] =	wrdreg $0x0  }
0xa6: {  	s4 =	sshll.u32 s25, $0x1;
	[dreg:$0x2] =	wrdreg s2  }
0xa7: {  	[dreg:$0x3] =	wrdreg s4  }
0xa8: {  	[dreg:$0x4] =	wrdreg $0xC0  }
0xa9: {  	_ =	task [dreg:s6], $0x5FFFF  }
0xaa: {  	[dreg:$0x1] =	wrdreg $0xFFFFFFFF  }
0xab: {  	[dreg:$0x0] =	wrdreg $0x60  }
0xac: {  	[dreg:$0x2] =	wrdreg s0  }
0xad: {  	[dreg:$0x3] =	wrdreg s16  }
0xae: {  	[dreg:$0x4] =	wrdreg s22  }
0xaf: {  	[dreg:$0x5] =	wrdreg $0x10800  }
0xb0: {  	[dreg:$0x6] =	wrdreg $0x9  }
0xb1: {  	_ =	task.clear_ibuf [dreg:s6], $0x7FFFF;
	_ =	strace $0x90000046  }
0xb2: {  	s26 =	simm.s32 $0x9;
	_ =	strace $0x80000048  }
0xb3: {  	_ =	swait.ge [sflag:s26], $0x1  }
0xb4: {  	[sflag:s26] =	ssyncadd.s32 $0xFFFFFFFF  }
0xb5: {  	_ =	strace $0x90000048  }
0xb6: {  	_ =	sfence  }
0xb7: {  	s28 =	sld [smem:$0x0];
	_ =	sdelay $0x1  }
0xb8: {  	s29 =	srdreg.scid  }
0xb9: {  	s30 =	sshll.u32 s29, $0xD;
	s31 =	sshrl.u32 s29, $0x2  }
0xba: {  	s1 =	sand.u32 $0x1, s29;
	s2 =	sand.u32 $0x4000, s30;
	s0 =	sadd.s32 s31, s28  }
0xbb: {  	s1 =	sor.u32 s2, s1;
	s0 =	sshll.u32 s0, $0x11  }
0xbc: {  	s0 =	sor.u32 s0, s1  }
0xbd: {  	s0 =	sadd.s32 $0x8F2B, s0  }
0xbe: {  	[sflag:s0] =	ssyncadd.remote.s32 $0x1  }
0xbf: {  	_ =	sfence.sel $0xFFFF  }
0xc0: {  	[dreg:$0x0] =	wrdreg $0xFFFFFFFF;
	(pc) =	sbr.abs _section_cstart, $3  }
0xc1: {  	[dreg:$0x1] =	wrdreg $0xFFFFFFFF  }
0xc2: {  	_ =	task.clear_ibuf [dreg:s6], $0x2FFFF;
	_ =	strace $0x9FFFFFFF  }
0xc3: {  	(tm) =	ssettm $0x7FFFFFFF  }
tec
execute0_lowered:
.L_overlay_start_1:
0x0: {  	(tag) =	ssettag $0x1  }
0x1: {  	s5 =	stileid.u32  }
0x2: {  	p0 =	sne.s32 s5, $0x0  }
.Ltmp0:
0x3: {  	s3 =	rddreg [dreg:$0x0];
	(pc) =	sbr.rel @p0 .LBB2_2-.Ltmp0, $4  }
0x4: {  	s4 =	rddreg [dreg:$0x1]  }
0x5: {  	s2 =	rddreg [dreg:$0x2]  }
0x6: {  	s1 =	rddreg [dreg:$0x3]  }
0x7: {  	s0 =	rddreg [dreg:$0x4];
	_ =	strace $0x80000047  }
0x8: {  	s5 =	simm.s32 $0x0  }
0x9: {  	[tilespmem:s5], [sflag:$0x1] =	stream.linear.gather [hbm4b:s3+s5], $0x300, $0x38;
	[tilespmem:$0x1120] =	vst v63  }
0xa: {  	s16 =	simm.s32 $0x500  }
0xb: {  	v0 =	vimm.f32 $0.0e+00;
	[tilespmem:s16], [sflag:$0x2] =	stream.linear.gather [hbm4b:s4+s5], $0x156, $0x38;
	[tilespmem:$0x1120] =	vst v63  }
0xc: {  	[tilespmem:$0x680] =	vst v0  }
0xd: {  	[tilespmem:$0x690] =	vst v0  }
0xe: {  	[tilespmem:$0x6A0] =	vst v0  }
0xf: {  	[tilespmem:$0x6B0] =	vst v0  }
0x10: {  	[tilespmem:$0x6C0] =	vst v0  }
0x11: {  	[tilespmem:$0x6D0] =	vst v0  }
0x12: {  	[tilespmem:$0x6E0] =	vst v0  }
0x13: {  	[tilespmem:$0x6F0] =	vst v0  }
0x14: {  	[tilespmem:$0x700] =	vst v0  }
0x15: {  	[tilespmem:$0x710] =	vst v0  }
0x16: {  	[tilespmem:$0x720] =	vst v0  }
0x17: {  	[tilespmem:$0x730] =	vst v0  }
0x18: {  	[tilespmem:$0x740] =	vst v0  }
0x19: {  	[tilespmem:$0x750] =	vst v0  }
0x1a: {  	[tilespmem:$0x760] =	vst v0  }
0x1b: {  	[tilespmem:$0x770] =	vst v0  }
0x1c: {  	[tilespmem:$0x780] =	vst v0  }
0x1d: {  	[tilespmem:$0x790] =	vst v0  }
0x1e: {  	[tilespmem:$0x7A0] =	vst v0  }
0x1f: {  	[tilespmem:$0x7B0] =	vst v0  }
0x20: {  	[tilespmem:$0x7C0] =	vst v0  }
0x21: {  	[tilespmem:$0x7D0] =	vst v0  }
0x22: {  	[tilespmem:$0x7E0] =	vst v0  }
0x23: {  	[tilespmem:$0x7F0] =	vst v0  }
0x24: {  	[tilespmem:$0x800] =	vst v0  }
0x25: {  	[tilespmem:$0x810] =	vst v0  }
0x26: {  	[tilespmem:$0x820] =	vst v0  }
0x27: {  	[tilespmem:$0x830] =	vst v0  }
0x28: {  	[tilespmem:$0x840] =	vst v0  }
0x29: {  	[tilespmem:$0x850] =	vst v0  }
0x2a: {  	[tilespmem:$0x860] =	vst v0  }
0x2b: {  	[tilespmem:$0x870] =	vst v0  }
0x2c: {  	[tilespmem:$0x880] =	vst v0  }
0x2d: {  	[tilespmem:$0x890] =	vst v0  }
0x2e: {  	[tilespmem:$0x8A0] =	vst v0  }
0x2f: {  	[tilespmem:$0x8B0] =	vst v0  }
0x30: {  	[tilespmem:$0x8C0] =	vst v0  }
0x31: {  	[tilespmem:$0x8D0] =	vst v0  }
0x32: {  	[tilespmem:$0x8E0] =	vst v0  }
0x33: {  	[tilespmem:$0x8F0] =	vst v0  }
0x34: {  	[tilespmem:$0x900] =	vst v0  }
0x35: {  	[tilespmem:$0x910] =	vst v0  }
0x36: {  	[tilespmem:$0x920] =	vst v0  }
0x37: {  	[tilespmem:$0x930] =	vst v0  }
0x38: {  	[tilespmem:$0x940] =	vst v0  }
0x39: {  	[tilespmem:$0x950] =	vst v0  }
0x3a: {  	[tilespmem:$0x960] =	vst v0  }
0x3b: {  	[tilespmem:$0x970] =	vst v0  }
0x3c: {  	[tilespmem:$0x980] =	vst v0  }
0x3d: {  	[tilespmem:$0x990] =	vst v0  }
0x3e: {  	[tilespmem:$0x9A0] =	vst v0  }
0x3f: {  	[tilespmem:$0x9B0] =	vst v0  }
0x40: {  	[tilespmem:$0x9C0] =	vst v0  }
0x41: {  	[tilespmem:$0x9D0] =	vst v0  }
0x42: {  	[tilespmem:$0x9E0] =	vst v0  }
0x43: {  	[tilespmem:$0x9F0] =	vst v0  }
0x44: {  	[tilespmem:$0xA00] =	vst v0  }
0x45: {  	[tilespmem:$0xA10] =	vst v0  }
0x46: {  	[tilespmem:$0xA20] =	vst v0  }
0x47: {  	[tilespmem:$0xA30] =	vst v0  }
0x48: {  	[tilespmem:$0xA40] =	vst v0  }
0x49: {  	[tilespmem:$0xA50] =	vst v0  }
0x4a: {  	[tilespmem:$0xA60] =	vst v0  }
0x4b: {  	[tilespmem:$0xA70] =	vst v0  }
0x4c: {  	[tilespmem:$0xA80] =	vst v0  }
0x4d: {  	[tilespmem:$0xA90] =	vst v0  }
0x4e: {  	[tilespmem:$0xAA0] =	vst v0  }
0x4f: {  	[tilespmem:$0xAB0] =	vst v0  }
0x50: {  	[tilespmem:$0xAC0] =	vst v0  }
0x51: {  	[tilespmem:$0xAD0] =	vst v0  }
0x52: {  	[tilespmem:$0xAE0] =	vst v0  }
0x53: {  	[tilespmem:$0xAF0] =	vst v0  }
0x54: {  	[tilespmem:$0xB00] =	vst v0  }
0x55: {  	[tilespmem:$0xB10] =	vst v0  }
0x56: {  	[tilespmem:$0xB20] =	vst v0  }
0x57: {  	[tilespmem:$0xB30] =	vst v0  }
0x58: {  	[tilespmem:$0xB40] =	vst v0  }
0x59: {  	[tilespmem:$0xB50] =	vst v0  }
0x5a: {  	[tilespmem:$0xB60] =	vst v0  }
0x5b: {  	[tilespmem:$0xB70] =	vst v0  }
0x5c: {  	[tilespmem:$0xB80] =	vst v0  }
0x5d: {  	[tilespmem:$0xB90] =	vst v0  }
0x5e: {  	[tilespmem:$0xBA0] =	vst v0  }
0x5f: {  	[tilespmem:$0xBB0] =	vst v0  }
0x60: {  	[tilespmem:$0xBC0] =	vst v0  }
0x61: {  	[tilespmem:$0xBD0] =	vst v0  }
0x62: {  	[tilespmem:$0xBE0] =	vst v0  }
0x63: {  	[tilespmem:$0xBF0] =	vst v0  }
0x64: {  	[tilespmem:$0xC00] =	vst v0  }
0x65: {  	[tilespmem:$0xC10] =	vst v0  }
0x66: {  	[tilespmem:$0xC20] =	vst v0  }
0x67: {  	[tilespmem:$0xC30] =	vst v0  }
0x68: {  	[tilespmem:$0xC40] =	vst v0  }
0x69: {  	[tilespmem:$0xC50] =	vst v0  }
0x6a: {  	[tilespmem:$0xC60] =	vst v0  }
0x6b: {  	[tilespmem:$0xC70] =	vst v0  }
0x6c: {  	[tilespmem:$0xC80] =	vst v0  }
0x6d: {  	[tilespmem:$0xC90] =	vst v0  }
0x6e: {  	[tilespmem:$0xCA0] =	vst v0  }
0x6f: {  	[tilespmem:$0xCB0] =	vst v0  }
0x70: {  	[tilespmem:$0xCC0] =	vst v0  }
0x71: {  	[tilespmem:$0xCD0] =	vst v0  }
0x72: {  	[tilespmem:$0xCE0] =	vst v0  }
0x73: {  	[tilespmem:$0xCF0] =	vst v0  }
0x74: {  	[tilespmem:$0xD00] =	vst v0  }
0x75: {  	[tilespmem:$0xD10] =	vst v0  }
0x76: {  	[tilespmem:$0xD20] =	vst v0  }
0x77: {  	[tilespmem:$0xD30] =	vst v0  }
0x78: {  	[tilespmem:$0xD40] =	vst v0  }
0x79: {  	[tilespmem:$0xD50] =	vst v0  }
0x7a: {  	[tilespmem:$0xD60] =	vst v0  }
0x7b: {  	[tilespmem:$0xD70] =	vst v0  }
0x7c: {  	[tilespmem:$0xD80] =	vst v0  }
0x7d: {  	[tilespmem:$0xD90] =	vst v0  }
0x7e: {  	[tilespmem:$0xDA0] =	vst v0  }
0x7f: {  	[tilespmem:$0xDB0] =	vst v0  }
0x80: {  	[tilespmem:$0xDC0] =	vst v0  }
0x81: {  	[tilespmem:$0xDD0] =	vst v0  }
0x82: {  	[tilespmem:$0xDE0] =	vst v0  }
0x83: {  	[tilespmem:$0xDF0] =	vst v0  }
0x84: {  	[tilespmem:$0xE00] =	vst v0  }
0x85: {  	[tilespmem:$0xE10] =	vst v0  }
0x86: {  	[tilespmem:$0xE20] =	vst v0  }
0x87: {  	[tilespmem:$0xE30] =	vst v0  }
0x88: {  	[tilespmem:$0xE40] =	vst v0  }
0x89: {  	[tilespmem:$0xE50] =	vst v0  }
0x8a: {  	[tilespmem:$0xE60] =	vst v0  }
0x8b: {  	[tilespmem:$0xE70] =	vst v0  }
0x8c: {  	[tilespmem:$0xE80] =	vst v0  }
0x8d: {  	[tilespmem:$0xE90] =	vst v0  }
0x8e: {  	[tilespmem:$0xEA0] =	vst v0  }
0x8f: {  	[tilespmem:$0xEB0] =	vst v0  }
0x90: {  	[tilespmem:$0xEC0] =	vst v0  }
0x91: {  	[tilespmem:$0xED0] =	vst v0  }
0x92: {  	[tilespmem:$0xEE0] =	vst v0  }
0x93: {  	[tilespmem:$0xEF0] =	vst v0  }
0x94: {  	[tilespmem:$0xF00] =	vst v0  }
0x95: {  	[tilespmem:$0xF10] =	vst v0  }
0x96: {  	[tilespmem:$0xF20] =	vst v0  }
0x97: {  	[tilespmem:$0xF30] =	vst v0  }
0x98: {  	[tilespmem:$0xF40] =	vst v0  }
0x99: {  	[tilespmem:$0xF50] =	vst v0  }
0x9a: {  	[tilespmem:$0xF60] =	vst v0  }
0x9b: {  	[tilespmem:$0xF70] =	vst v0  }
0x9c: {  	[tilespmem:$0xF80] =	vst v0  }
0x9d: {  	[tilespmem:$0xF90] =	vst v0  }
0x9e: {  	[tilespmem:$0xFA0] =	vst v0  }
0x9f: {  	[tilespmem:$0xFB0] =	vst v0  }
0xa0: {  	[tilespmem:$0xFC0] =	vst v0  }
0xa1: {  	[tilespmem:$0xFD0] =	vst v0  }
0xa2: {  	[tilespmem:$0xFE0] =	vst v0  }
0xa3: {  	[tilespmem:$0xFF0] =	vst v0  }
0xa4: {  	[tilespmem:$0x1000] =	vst v0  }
0xa5: {  	[tilespmem:$0x1010] =	vst v0  }
0xa6: {  	[tilespmem:$0x1020] =	vst v0  }
0xa7: {  	[tilespmem:$0x1030] =	vst v0  }
0xa8: {  	[tilespmem:$0x1040] =	vst v0  }
0xa9: {  	[tilespmem:$0x1050] =	vst v0  }
0xaa: {  	[tilespmem:$0x1060] =	vst v0  }
0xab: {  	s17 =	simm.s32 $0x680;
	[tilespmem:$0x1070] =	vst v0  }
0xac: {  	v37 =	vimm.s32 $0x980;
	[spmem:s1] =	stream.linear.scatter [tilespmem:s17], [sflag:$0x3], $0xA00, $0x38;
	[tilespmem:$0x1120] =	vst v63  }
0xad: {  	[tilespmem:$0x456] =	vst v37  }
0xae: {  	[tilespmem:$0x466] =	vst v37  }
0xaf: {  	s18 =	simm.s32 $0x1;
	[tilespmem:$0x470] =	vst v37  }
0xb0: {  	_ =	swait.ge [sflag:s18], $0x300  }
0xb1: {  	[sflag:s18] =	ssyncset.done $0x0  }
0xb2: {  	[sflag:s18] =	ssyncadd.s32 $0xFFFFFD00  }
0xb3: {  	v38 =	vld [tilespmem:$0x80]  }
0xb4: {  	v1 =	vld [tilespmem:$0x0]  }
0xb5: {  	v2 =	vld [tilespmem:$0x90]  }
0xb6: {  	v3 =	vld [tilespmem:$0x10]  }
0xb7: {  	v4 =	vld [tilespmem:$0xA0]  }
0xb8: {  	v5 =	vld [tilespmem:$0x20]  }
0xb9: {  	v6 =	vld [tilespmem:$0xB0]  }
0xba: {  	v7 =	vld [tilespmem:$0x30]  }
0xbb: {  	v8 =	vld [tilespmem:$0xC0]  }
0xbc: {  	v9 =	vld [tilespmem:$0x40]  }
0xbd: {  	v10 =	vld [tilespmem:$0xD0]  }
0xbe: {  	v11 =	vld [tilespmem:$0x50]  }
0xbf: {  	v12 =	vld [tilespmem:$0xE0]  }
0xc0: {  	v13 =	vld [tilespmem:$0x60]  }
0xc1: {  	v14 =	vld [tilespmem:$0xF0]  }
0xc2: {  	v15 =	vld [tilespmem:$0x70]  }
0xc3: {  	v16 =	vld [tilespmem:$0x180]  }
0xc4: {  	v17 =	vld [tilespmem:$0x100]  }
0xc5: {  	v18 =	vld [tilespmem:$0x190]  }
0xc6: {  	v19 =	vld [tilespmem:$0x110]  }
0xc7: {  	v20 =	vld [tilespmem:$0x1A0]  }
0xc8: {  	v21 =	vld [tilespmem:$0x120]  }
0xc9: {  	v22 =	vld [tilespmem:$0x1B0]  }
0xca: {  	v23 =	vld [tilespmem:$0x130]  }
0xcb: {  	v24 =	vld [tilespmem:$0x1C0]  }
0xcc: {  	v25 =	vld [tilespmem:$0x140]  }
0xcd: {  	v26 =	vld [tilespmem:$0x1D0]  }
0xce: {  	v27 =	vld [tilespmem:$0x150]  }
0xcf: {  	v28 =	vld [tilespmem:$0x1E0]  }
0xd0: {  	v29 =	vld [tilespmem:$0x160];
	v0 =	vshll.u32 v38, $0x7  }
0xd1: {  	v40 =	vld [tilespmem:$0x1F0];
	v39 =	vshll.u32 v2, $0x7;
	v0 =	vadd.s32 v1, v0  }
0xd2: {  	v43 =	vld [tilespmem:$0x170];
	v42 =	vshll.u32 v4, $0x7;
	v41 =	vadd.s32 v3, v39;
	[tilespmem:$0x300] =	vst v0  }
0xd3: {  	v46 =	vld [tilespmem:$0x280];
	v45 =	vshll.u32 v6, $0x7;
	v44 =	vadd.s32 v5, v42;
	[tilespmem:$0x310] =	vst v41  }
0xd4: {  	v49 =	vld [tilespmem:$0x200];
	v48 =	vshll.u32 v8, $0x7;
	v47 =	vadd.s32 v7, v45;
	[tilespmem:$0x320] =	vst v44  }
0xd5: {  	v52 =	vld [tilespmem:$0x290];
	v51 =	vshll.u32 v10, $0x7;
	v50 =	vadd.s32 v9, v48;
	[tilespmem:$0x330] =	vst v47  }
0xd6: {  	v56 =	vld [tilespmem:$0x210];
	v54 =	vshll.u32 v12, $0x7;
	v53 =	vadd.s32 v11, v51;
	[tilespmem:$0x340] =	vst v50  }
0xd7: {  	v59 =	vld [tilespmem:$0x2A0];
	v55 =	vshll.u32 v14, $0x7;
	v60 =	vshll.u32 v16, $0x7;
	v57 =	vadd.s32 v13, v54;
	[tilespmem:$0x350] =	vst v53  }
0xd8: {  	v63 =	vld [tilespmem:$0x220];
	v61 =	vshll.u32 v18, $0x7;
	v62 =	vshll.u32 v20, $0x7;
	v58 =	vadd.s32 v15, v55;
	[tilespmem:$0x360] =	vst v57  }
0xd9: {  	v35 =	vld [tilespmem:$0x2C0];
	v22 =	vshll.u32 v22, $0x7;
	v30 =	vshll.u32 v24, $0x7;
	v19 =	vadd.s32 v19, v61;
	[tilespmem:$0x370] =	vst v58  }
0xda: {  	v37 =	vld.msk [tilespmem:$0x2D0], $0x3f;
	v31 =	vshll.u32 v26, $0x7;
	v36 =	vshll.u32 v28, $0x7;
	v20 =	vadd.s32 v21, v62;
	[tilespmem:$0x390] =	vst v19  }
0xdb: {  	v38 =	vimm.s32 $0x543210FE;
	v40 =	vshll.u32 v40, $0x7;
	v21 =	vld [tilespmem:$0x2B0];
	v33 =	vadd.s32 v25, v30;
	[tilespmem:$0x3A0] =	vst v20  }
0xdc: {  	v34 =	vadd.s32 v27, v31;
	v39 =	vimm.s32 $0xDCBA9876;
	v45 =	vld [tilespmem:$0x2C0];
	v0 =	vadd.s32 v17, v60;
	[tilespmem:$0x3C0] =	vst v33  }
0xdd: {  	v16 =	vunpack.c.l.s4.s8 v38;
	v41 =	vld [tilespmem:$0x240];
	v17 =	vunpack.c.l.s4.s8 v39;
	[tilespmem:$0x380] =	vst v0;
	v0 =	vadd.s32 v23, v22  }
0xde: {  	v42 =	vadd.s32 v29, v36;
	v44 =	vld.msk [tilespmem:$0x250], $0x3f;
	v50 =	vshll.u32 v59, $0x7;
	[tilespmem:$0x3B0] =	vst v0;
	v0 =	vadd.s32 v43, v40  }
0xdf: {  	v32 =	vld [tilespmem:$0x230];
	[tilespmem:$0x3D0] =	vst v34;
	v43 =	vshll.u32 v46, $0x7;
	v46 =	vunpack.c.0.s8.s32 v16;
	v47 =	vunpack.c.0.s8.s32 v17  }
0xe0: {  	v6 =	vshll.u32 v52, $0x7;
	v51 =	vld [tilespmem:$0x240];
	[tilespmem:$0x3E0] =	vst v42;
	v57 =	vshll.u32 v37, $0x7;
	v52 =	vadd.s32 v63, v50  }
0xe1: {  	[tilespmem:$0x420] =	vst v52;
	v48 =	vadd.s32 v49, v43;
	v49 =	vadd.s32 v56, v6;
	v53 =	vcombine.low v47, v46  }
0xe2: {  	[tilespmem:$0x3F0] =	vst v0;
	v56 =	vshll.u32 v35, $0x7;
	v54 =	vshll.u32 v21, $0x7;
	v62 =	vshll.u32 v45, $0x7  }
0xe3: {  	[tilespmem:$0x400] =	vst v48;
	v2 =	vadd.s32 v56, v41;
	v58 =	vadd.s32 v57, v44;
	v59 =	vand.u32 $0xF, v53  }
0xe4: {  	[tilespmem:$0x410] =	vst v49;
	v55 =	vadd.s32 v32, v54;
	v60 =	vperm.xlane v2, v59;
	v61 =	vperm.xlane v58, v59  }
0xe5: {  	vm0 =	vmmov $0x3ff;
	v63 =	vadd.s32 v51, v62;
	[tilespmem:$0x430] =	vst v55  }
0xe6: {  	[tilespmem:$0x440] =	vst v63;
	v0 =	vsel vm0, v60, v61  }
0xe7: {  	s19 =	simm.s32 $0x2;
	[tilespmem:$0x446] =	vst v0  }
0xe8: {  	_ =	swait.ge [sflag:s19], $0x156  }
0xe9: {  	[sflag:s19] =	ssyncset.done $0x0  }
0xea: {  	s20 =	simm.s32 $0x3;
	[sflag:s19] =	ssyncadd.s32 $0xFFFFFEAA  }
0xeb: {  	_ =	swait.ge [sflag:s20], $0xA00  }
0xec: {  	[sflag:s20] =	ssyncset.done $0x0  }
0xed: {  	s21 =	simm.s32 $0x80;
	s22 =	simm.s32 $0x300;
	[sflag:s20] =	ssyncadd.s32 $0xFFFFF600  }
0xee: {  	[spmem:s1] =	stream.indirect.scatter.add.f32 [tilespmem:s16], [sflag:$0x4], $0x1, s22, s21, $0xb8;
	[tilespmem:$0x1120] =	vst v63  }
0xef: {  	s23 =	simm.s32 $0x380;
	s24 =	simm.s32 $0x580  }
0xf0: {  	[spmem:s1] =	stream.indirect.scatter.add.f32 [tilespmem:s24], [sflag:$0x4], $0x1, s23, s21, $0xb8;
	[tilespmem:$0x1120] =	vst v63  }
0xf1: {  	s25 =	simm.s32 $0x400;
	s26 =	simm.s32 $0x600;
	s28 =	simm.s32 $0x4  }
0xf2: {  	[spmem:s1] =	stream.indirect.scatter.add.f32 [tilespmem:s26], [sflag:$0x4], $0x1, s25, s21, $0xb8;
	[tilespmem:$0x1120] =	vst v63  }
0xf3: {  	_ =	swait.ge [sflag:s28], $0x80  }
0xf4: {  	[sflag:s28] =	ssyncset.done $0x0  }
0xf5: {  	[sflag:s28] =	ssyncadd.s32 $0xFFFFFF80  }
0xf6: {  	_ =	swait.ge [sflag:s28], $0x80  }
0xf7: {  	[sflag:s28] =	ssyncset.done $0x0  }
0xf8: {  	[sflag:s28] =	ssyncadd.s32 $0xFFFFFF80  }
0xf9: {  	_ =	swait.ge [sflag:s28], $0x80  }
0xfa: {  	s2 =	sadd.s32 $0x1400, s2;
	s29 =	sshrl.u32 s1, $0x3;
	[sflag:s28] =	ssyncset.done $0x0  }
0xfb: {  	s30 =	simm.s32 $0x1C05;
	s31 =	simm.s32 $0x5;
	[sflag:s28] =	ssyncadd.s32 $0xFFFFFF80  }
0xfc: {  	[hbm:s2], [sflag:s30] =	dma.local [spmem:s29], $0x140  }
0xfd: {  	_ =	swait.ge [sflag:s31], $0x140  }
0xfe: {  	[sflag:s31] =	ssyncset.done $0x0  }
0xff: {  	[sflag:s31] =	ssyncadd.s32 $0xFFFFFEC0  }
.LBB2_2:
0x100: {  	_ =	sfence.sel $0x180000  }
0x101: {  	[bflag:$0x0] =	sbarrier.arrive $0xFFFF  }
0x102: {  	_ =	strace $0x90000047  }
0x103: {  	s0 =	sadd.s32 @!p0 $0x100000, s0;
	[bflag:$0x2] =	sbarrier.arrive $0xFFFF  }
0x104: {  	[sflag:s0] =	ssyncadd.tile.s32 @!p0 $0x1;
	_ =	shalt  }
.Lfunc_end2:
_tile_overlayer_lowered:
.L_overlay_start_2:
0x105: {  	(tag) =	ssettag $0x2  }
0x106: {  	s0 =	rddreg [dreg:$0x0];
	s2 =	stileid.u32  }
0x107: {  	s1 =	rddreg [dreg:$0x1];
	p0 =	sne.s32 s2, $0x0  }
0x108: {  	s3 =	rddreg [dreg:$0x2];
	[bflag:$0x3] =	sbarrier.arrive $0xFFFF;
	s2 =	simm.s32 @!p0 $0x1C05  }
0x109: {  	[timem:s3], [sflag:s2] =	dma.local @!p0 [hbm:s0], s1  }
0x10a: {  	s0 =	simm.s32 @!p0 $0x5  }
0x10b: {  	_ =	swait.ge @!p0 [sflag:s0], s1  }
0x10c: {  	s1 =	ssub.s32 @!p0 $0x0, s1;
	[sflag:s0] =	ssyncset.done @!p0 $0x0  }
0x10d: {  	[sflag:s0] =	ssyncadd.s32 @!p0 s1  }
0x10e: {  	[bflag:$0x3] =	sbarrier.arrive $0xFFFF  }
0x10f: {  	_ =	shalt  }

</sc_bundles>
